<compile_context>
chip_gen: v7x
topology: tpu7x:2x2x1
jax: 0.10.2.dev20260603
libtpu: 0.0.44.dev20260713+nightly
codegen_flags: <defaults>
</compile_context>

<pallas_src>
import functools

import jax
import jax.numpy as jnp
from jax import lax
from jax.experimental import pallas as pl
from jax.experimental.pallas import tpu as pltpu
from jax.experimental.pallas import tpu_sc as plsc

NC = 2
NS = 16
NW = NC * NS
BCH = 128
WIN = 104
NB = 2


def _emb_call(S, D, B):
    off1 = S - WIN
    mesh = plsc.VectorSubcoreMesh(core_axis_name="c", subcore_axis_name="s")

    @functools.partial(
        pl.kernel,
        out_type=jax.ShapeDtypeStruct((B, S, D), jnp.float32),
        mesh=mesh,
        scratch_types=[
            pltpu.VMEM((S, BCH), jnp.int32),
            pltpu.VMEM((2 * BCH, WIN), jnp.int32),
            pltpu.VMEM((NB, WIN, 2 * D), jnp.float32),
            pltpu.VMEM((NB, WIN, D), jnp.float32),
            pltpu.SemaphoreType.DMA((NB,)),
            pltpu.SemaphoreType.DMA((NB,)),
        ],
        compiler_params=pltpu.CompilerParams(needs_layout_passes=False),
    )
    def emb_kernel(
        tt_hbm, table_hbm, out_hbm, idx_v, idxt_v, g_v, o_v, gsem, osem
    ):
        wid = lax.axis_index("s") * NC + lax.axis_index("c")
        b0 = wid * BCH
        pltpu.sync_copy(tt_hbm.at[:, pl.ds(b0, BCH)], idx_v)

        lanes = jnp.arange(16, dtype=jnp.int32)

        @plsc.parallel_loop(0, S, step=1, unroll=4)
        def sloop(s):
            in_w0 = s < WIN
            in_w1 = s >= off1
            col0 = jnp.broadcast_to(jnp.minimum(s, WIN - 1), (16,)).astype(
                jnp.int32
            )
            col1 = jnp.broadcast_to(
                jnp.maximum(s - off1, 0), (16,)
            ).astype(jnp.int32)
            m0 = jnp.broadcast_to(in_w0, (16,))
            m1 = jnp.broadcast_to(in_w1, (16,))
            for bg in range(BCH // 16):
                v = idx_v[s, pl.ds(16 * bg, 16)]
                rows = 2 * (16 * bg + lanes)
                plsc.store_scatter(idxt_v, [rows, col0], v, mask=m0)
                plsc.store_scatter(idxt_v, [rows + 1, col1], v, mask=m1)

        def gfire(k, u):
            pltpu.async_copy(
                table_hbm.at[idxt_v.at[u]], g_v.at[k], gsem.at[k]
            )

        def gwait(k, u):
            pltpu.make_async_copy(
                table_hbm.at[idxt_v.at[u]], g_v.at[k], gsem.at[k]
            ).wait()

        def ofire(k, u):
            pltpu.async_copy(
                o_v.at[k],
                out_hbm.at[b0 + u // 2, pl.ds((u % 2) * off1, WIN), :],
                osem.at[k],
            )

        def owait(k, u):
            pltpu.make_async_copy(
                o_v.at[k],
                out_hbm.at[b0 + u // 2, pl.ds((u % 2) * off1, WIN), :],
                osem.at[k],
            ).wait()

        def compact(k):
            @plsc.parallel_loop(0, WIN, step=1, unroll=4)
            def rloop(r):
                for dg in range(D // 16):
                    o_v[k, r, pl.ds(16 * dg, 16)] = g_v[
                        k, r, pl.ds(16 * dg, 16)
                    ]

        units = 2 * BCH
        for k in range(NB):
            gfire(k, k)

        def outer(h, carry):
            u0 = h * NB
            for k in range(NB):
                u = u0 + k
                gwait(k, u)

                @pl.when(u >= NB)
                def _():
                    owait(k, u - NB)

                compact(k)
                ofire(k, u)

                @pl.when(u + NB < units)
                def _():
                    gfire(k, u + NB)

            return carry

        lax.fori_loop(0, units // NB, outer, 0)
        for k in range(NB):
            owait(k, units - NB + k)

    return emb_kernel


def kernel(token_ids, embeddings):
    B, S = token_ids.shape
    V, D = embeddings.shape
    assert B == NW * BCH and S % 8 == 0 and WIN < S <= 2 * WIN

    tt = token_ids.T.astype(jnp.int32)
    table = jnp.pad(embeddings, ((0, 0), (0, D)))
    o = _emb_call(S, D, B)(tt, table)
    return lax.optimization_barrier(o)

# --- scband reference (transcript-rebuilt; emitter-appended) ---
"""Pipeline reference for scband-embedding-16466904613080 (READ-ONLY COPY).

The authoritative reference and input builder live on the scoring server;
editing this copy changes nothing except your own understanding.
"""

import jax, jax.numpy as jnp
import numpy as np

NUM_EMBEDDINGS = 100000
EMBEDDING_DIM = 64


def _trunc_normal(key, shape, a=-3.0, b=3.0):
    # approximate trunc_normal via truncated_normal primitive
    return jax.random.truncated_normal(key, a, b, shape, dtype=jnp.float32)


def setup_inputs(seed: int = 0) -> dict:
    key = jax.random.key(seed)
    k1, k2 = jax.random.split(key)
    token_ids = jax.random.randint(k1, (4096, 200), 0, NUM_EMBEDDINGS, dtype=jnp.int64 if jax.config.jax_enable_x64 else jnp.int32)
    embeddings = _trunc_normal(k2, (NUM_EMBEDDINGS, EMBEDDING_DIM))
    return {"token_ids": token_ids, "embeddings": embeddings}


def reference(token_ids, embeddings):
    # get_at('[num_embedding] d, ... -> ... d', embeddings, token_ids)
    return jnp.take(embeddings, token_ids, axis=0)

if __name__ == "__main__":
    import jax
    _d = setup_inputs()
    print(jax.jit(kernel)(*tuple(_d.values())))

</pallas_src>

<mosaic_0001>
#map = affine_map<(d0, d1) -> (0, 0)>
#map1 = affine_map<(d0, d1) -> (0, 0, 0)>
module attributes {stable_mosaic.version = 14 : i64} {
  func.func @emb_kernel(%arg0: i32, %arg1: i32, %arg2: memref<200x4096xi32, #tpu.memory_space<hbm>>, %arg3: memref<100000x128xf32, #tpu.memory_space<hbm>>, %arg4: memref<4096x200x64xf32, #tpu.memory_space<hbm>>, %arg5: memref<200x128xi32, #tpu.memory_space<vmem>>, %arg6: memref<256x104xi32, #tpu.memory_space<vmem>>, %arg7: memref<2x104x128xf32, #tpu.memory_space<vmem>>, %arg8: memref<2x104x64xf32, #tpu.memory_space<vmem>>, %arg9: memref<2x!tpu.dma_semaphore, #tpu.memory_space<semaphore_mem>>, %arg10: memref<2x!tpu.dma_semaphore, #tpu.memory_space<semaphore_mem>>) attributes {dimension_semantics = [#tpu.dimension_semantics<core_parallel>, #tpu.dimension_semantics<subcore_parallel>], iteration_bounds = array<i64: 2, 16>, scalar_prefetch = 0 : i64, scratch_operands = 6 : i64, tpu.core_type = #tpu.core_type<sc_vector_subcore>, window_params = [{transform_indices = #map}, {transform_indices = #map}, {transform_indices = #map1}]} {
    %mul3A = arith.constant 2 : i32
    %mul3A_0 = arith.muli %arg1, %mul3A : i32
    %add3A = arith.addi %mul3A_0, %arg0 : i32
    %mul3A_1 = arith.constant 128 : i32
    %mul3A_2 = arith.muli %add3A, %mul3A_1 : i32
    "tpu.region"() ({
      %run_scoped3A = tpu.sem_alloc : memref<!tpu.dma_semaphore, #tpu.memory_space<semaphore_mem>>
      %dma_start3A_82 = arith.constant 0 : i32
      %dma_start3A_83 = tpu.memref_slice %arg2[%dma_start3A_82, %mul3A_2] : memref<200x4096xi32, #tpu.memory_space<hbm>> -> memref<200x128xi32, #tpu.memory_space<hbm>>
      %dma_start3A_84 = arith.constant 0 : i32
      %dma_start3A_85 = tpu.memref_slice %arg2[%dma_start3A_84, %mul3A_2] : memref<200x4096xi32, #tpu.memory_space<hbm>> -> memref<200x128xi32, #tpu.memory_space<hbm>>
      tpu.enqueue_dma source(%dma_start3A_85 : memref<200x128xi32, #tpu.memory_space<hbm>>) target(%arg5 : memref<200x128xi32, #tpu.memory_space<vmem>>) target_semaphore(%run_scoped3A : memref<!tpu.dma_semaphore, #tpu.memory_space<semaphore_mem>>)
      %dma_wait3A_86 = arith.constant 0 : i32
      %dma_wait3A_87 = tpu.memref_slice %arg2[%dma_wait3A_86, %mul3A_2] : memref<200x4096xi32, #tpu.memory_space<hbm>> -> memref<200x128xi32, #tpu.memory_space<hbm>>
      %dma_wait3A_88 = arith.constant 0 : i32
      %dma_wait3A_89 = tpu.memref_slice %arg2[%dma_wait3A_88, %mul3A_2] : memref<200x4096xi32, #tpu.memory_space<hbm>> -> memref<200x128xi32, #tpu.memory_space<hbm>>
      tpu.wait_dma2 semaphore(%run_scoped3A : memref<!tpu.dma_semaphore, #tpu.memory_space<semaphore_mem>>) src(%dma_wait3A_89 : memref<200x128xi32, #tpu.memory_space<hbm>>) dst(%arg5 : memref<200x128xi32, #tpu.memory_space<vmem>>)
      tpu.yield
    }) : () -> ()
    %iota3A = tpu.iota {dimensions = array<i32: 0>} : vector<16xi32>
    %parallel_loop3A = arith.constant 0 : i32
    %parallel_loop3A_3 = arith.constant 200 : i32
    %parallel_loop3A_4 = arith.constant 1 : i32
    scf.for %parallel_loop3A_82 = %parallel_loop3A to %parallel_loop3A_3 step %parallel_loop3A_4  : i32 {
      %parallel_loop3A_83 = arith.constant 104 : i32
      %parallel_loop3A_84 = arith.cmpi slt, %parallel_loop3A_82, %parallel_loop3A_83 : i32
      %parallel_loop3A_85 = arith.constant 96 : i32
      %parallel_loop3A_86 = arith.cmpi sge, %parallel_loop3A_82, %parallel_loop3A_85 : i32
      %parallel_loop3A_87 = arith.constant 103 : i32
      %parallel_loop3A_88 = arith.minsi %parallel_loop3A_82, %parallel_loop3A_87 : i32
      %parallel_loop3A_89 = vector.broadcast %parallel_loop3A_88 : i32 to vector<16xi32>
      %parallel_loop3A_90 = arith.constant 96 : i32
      %parallel_loop3A_91 = arith.subi %parallel_loop3A_82, %parallel_loop3A_90 : i32
      %parallel_loop3A_92 = arith.constant 0 : i32
      %parallel_loop3A_93 = arith.maxsi %parallel_loop3A_91, %parallel_loop3A_92 : i32
      %parallel_loop3A_94 = vector.broadcast %parallel_loop3A_93 : i32 to vector<16xi32>
      %parallel_loop3A_95 = vector.broadcast %parallel_loop3A_84 : i1 to vector<16xi1>
      %parallel_loop3A_96 = vector.broadcast %parallel_loop3A_86 : i1 to vector<16xi1>
      %parallel_loop3A_97 = arith.index_cast %parallel_loop3A_82 : i32 to index
      %parallel_loop3A_98 = arith.constant 0 : index
      %parallel_loop3A_99 = tpu.vector_load %arg5[%parallel_loop3A_97, %parallel_loop3A_98] {strides = array<i32>} : memref<200x128xi32, #tpu.memory_space<vmem>>, vector<16xi32>,
      %parallel_loop3A_100 = arith.constant 0 : i32
      %parallel_loop3A_101 = vector.broadcast %parallel_loop3A_100 : i32 to vector<16xi32>
      %parallel_loop3A_102 = arith.addi %parallel_loop3A_101, %iota3A : vector<16xi32>
      %parallel_loop3A_103 = arith.constant 2 : i32
      %parallel_loop3A_104 = vector.broadcast %parallel_loop3A_103 : i32 to vector<16xi32>
      %parallel_loop3A_105 = arith.muli %parallel_loop3A_104, %parallel_loop3A_102 : vector<16xi32>
      tpu.vector_store_idx %arg6[%parallel_loop3A_105, %parallel_loop3A_89], %parallel_loop3A_99 masked %parallel_loop3A_95 : memref<256x104xi32, #tpu.memory_space<vmem>>[vector<16xi32>, vector<16xi32>], vector<16xi32>, vector<16xi1>
      %parallel_loop3A_106 = arith.constant 1 : i32
      %parallel_loop3A_107 = vector.broadcast %parallel_loop3A_106 : i32 to vector<16xi32>
      %parallel_loop3A_108 = arith.addi %parallel_loop3A_105, %parallel_loop3A_107 : vector<16xi32>
      tpu.vector_store_idx %arg6[%parallel_loop3A_108, %parallel_loop3A_94], %parallel_loop3A_99 masked %parallel_loop3A_96 : memref<256x104xi32, #tpu.memory_space<vmem>>[vector<16xi32>, vector<16xi32>], vector<16xi32>, vector<16xi1>
      %parallel_loop3A_109 = arith.index_cast %parallel_loop3A_82 : i32 to index
      %parallel_loop3A_110 = arith.constant 16 : index
      %parallel_loop3A_111 = tpu.vector_load %arg5[%parallel_loop3A_109, %parallel_loop3A_110] {strides = array<i32>} : memref<200x128xi32, #tpu.memory_space<vmem>>, vector<16xi32>,
      %parallel_loop3A_112 = arith.constant 16 : i32
      %parallel_loop3A_113 = vector.broadcast %parallel_loop3A_112 : i32 to vector<16xi32>
      %parallel_loop3A_114 = arith.addi %parallel_loop3A_113, %iota3A : vector<16xi32>
      %parallel_loop3A_115 = arith.constant 2 : i32
      %parallel_loop3A_116 = vector.broadcast %parallel_loop3A_115 : i32 to vector<16xi32>
      %parallel_loop3A_117 = arith.muli %parallel_loop3A_116, %parallel_loop3A_114 : vector<16xi32>
      tpu.vector_store_idx %arg6[%parallel_loop3A_117, %parallel_loop3A_89], %parallel_loop3A_111 masked %parallel_loop3A_95 : memref<256x104xi32, #tpu.memory_space<vmem>>[vector<16xi32>, vector<16xi32>], vector<16xi32>, vector<16xi1>
      %parallel_loop3A_118 = arith.constant 1 : i32
      %parallel_loop3A_119 = vector.broadcast %parallel_loop3A_118 : i32 to vector<16xi32>
      %parallel_loop3A_120 = arith.addi %parallel_loop3A_117, %parallel_loop3A_119 : vector<16xi32>
      tpu.vector_store_idx %arg6[%parallel_loop3A_120, %parallel_loop3A_94], %parallel_loop3A_111 masked %parallel_loop3A_96 : memref<256x104xi32, #tpu.memory_space<vmem>>[vector<16xi32>, vector<16xi32>], vector<16xi32>, vector<16xi1>
      %parallel_loop3A_121 = arith.index_cast %parallel_loop3A_82 : i32 to index
      %parallel_loop3A_122 = arith.constant 32 : index
      %parallel_loop3A_123 = tpu.vector_load %arg5[%parallel_loop3A_121, %parallel_loop3A_122] {strides = array<i32>} : memref<200x128xi32, #tpu.memory_space<vmem>>, vector<16xi32>,
      %parallel_loop3A_124 = arith.constant 32 : i32
      %parallel_loop3A_125 = vector.broadcast %parallel_loop3A_124 : i32 to vector<16xi32>
      %parallel_loop3A_126 = arith.addi %parallel_loop3A_125, %iota3A : vector<16xi32>
      %parallel_loop3A_127 = arith.constant 2 : i32
      %parallel_loop3A_128 = vector.broadcast %parallel_loop3A_127 : i32 to vector<16xi32>
      %parallel_loop3A_129 = arith.muli %parallel_loop3A_128, %parallel_loop3A_126 : vector<16xi32>
      tpu.vector_store_idx %arg6[%parallel_loop3A_129, %parallel_loop3A_89], %parallel_loop3A_123 masked %parallel_loop3A_95 : memref<256x104xi32, #tpu.memory_space<vmem>>[vector<16xi32>, vector<16xi32>], vector<16xi32>, vector<16xi1>
      %parallel_loop3A_130 = arith.constant 1 : i32
      %parallel_loop3A_131 = vector.broadcast %parallel_loop3A_130 : i32 to vector<16xi32>
      %parallel_loop3A_132 = arith.addi %parallel_loop3A_129, %parallel_loop3A_131 : vector<16xi32>
      tpu.vector_store_idx %arg6[%parallel_loop3A_132, %parallel_loop3A_94], %parallel_loop3A_123 masked %parallel_loop3A_96 : memref<256x104xi32, #tpu.memory_space<vmem>>[vector<16xi32>, vector<16xi32>], vector<16xi32>, vector<16xi1>
      %parallel_loop3A_133 = arith.index_cast %parallel_loop3A_82 : i32 to index
      %parallel_loop3A_134 = arith.constant 48 : index
      %parallel_loop3A_135 = tpu.vector_load %arg5[%parallel_loop3A_133, %parallel_loop3A_134] {strides = array<i32>} : memref<200x128xi32, #tpu.memory_space<vmem>>, vector<16xi32>,
      %parallel_loop3A_136 = arith.constant 48 : i32
      %parallel_loop3A_137 = vector.broadcast %parallel_loop3A_136 : i32 to vector<16xi32>
      %parallel_loop3A_138 = arith.addi %parallel_loop3A_137, %iota3A : vector<16xi32>
      %parallel_loop3A_139 = arith.constant 2 : i32
      %parallel_loop3A_140 = vector.broadcast %parallel_loop3A_139 : i32 to vector<16xi32>
      %parallel_loop3A_141 = arith.muli %parallel_loop3A_140, %parallel_loop3A_138 : vector<16xi32>
      tpu.vector_store_idx %arg6[%parallel_loop3A_141, %parallel_loop3A_89], %parallel_loop3A_135 masked %parallel_loop3A_95 : memref<256x104xi32, #tpu.memory_space<vmem>>[vector<16xi32>, vector<16xi32>], vector<16xi32>, vector<16xi1>
      %parallel_loop3A_142 = arith.constant 1 : i32
      %parallel_loop3A_143 = vector.broadcast %parallel_loop3A_142 : i32 to vector<16xi32>
      %parallel_loop3A_144 = arith.addi %parallel_loop3A_141, %parallel_loop3A_143 : vector<16xi32>
      tpu.vector_store_idx %arg6[%parallel_loop3A_144, %parallel_loop3A_94], %parallel_loop3A_135 masked %parallel_loop3A_96 : memref<256x104xi32, #tpu.memory_space<vmem>>[vector<16xi32>, vector<16xi32>], vector<16xi32>, vector<16xi1>
      %parallel_loop3A_145 = arith.index_cast %parallel_loop3A_82 : i32 to index
      %parallel_loop3A_146 = arith.constant 64 : index
      %parallel_loop3A_147 = tpu.vector_load %arg5[%parallel_loop3A_145, %parallel_loop3A_146] {strides = array<i32>} : memref<200x128xi32, #tpu.memory_space<vmem>>, vector<16xi32>,
      %parallel_loop3A_148 = arith.constant 64 : i32
      %parallel_loop3A_149 = vector.broadcast %parallel_loop3A_148 : i32 to vector<16xi32>
      %parallel_loop3A_150 = arith.addi %parallel_loop3A_149, %iota3A : vector<16xi32>
      %parallel_loop3A_151 = arith.constant 2 : i32
      %parallel_loop3A_152 = vector.broadcast %parallel_loop3A_151 : i32 to vector<16xi32>
      %parallel_loop3A_153 = arith.muli %parallel_loop3A_152, %parallel_loop3A_150 : vector<16xi32>
      tpu.vector_store_idx %arg6[%parallel_loop3A_153, %parallel_loop3A_89], %parallel_loop3A_147 masked %parallel_loop3A_95 : memref<256x104xi32, #tpu.memory_space<vmem>>[vector<16xi32>, vector<16xi32>], vector<16xi32>, vector<16xi1>
      %parallel_loop3A_154 = arith.constant 1 : i32
      %parallel_loop3A_155 = vector.broadcast %parallel_loop3A_154 : i32 to vector<16xi32>
      %parallel_loop3A_156 = arith.addi %parallel_loop3A_153, %parallel_loop3A_155 : vector<16xi32>
      tpu.vector_store_idx %arg6[%parallel_loop3A_156, %parallel_loop3A_94], %parallel_loop3A_147 masked %parallel_loop3A_96 : memref<256x104xi32, #tpu.memory_space<vmem>>[vector<16xi32>, vector<16xi32>], vector<16xi32>, vector<16xi1>
      %parallel_loop3A_157 = arith.index_cast %parallel_loop3A_82 : i32 to index
      %parallel_loop3A_158 = arith.constant 80 : index
      %parallel_loop3A_159 = tpu.vector_load %arg5[%parallel_loop3A_157, %parallel_loop3A_158] {strides = array<i32>} : memref<200x128xi32, #tpu.memory_space<vmem>>, vector<16xi32>,
      %parallel_loop3A_160 = arith.constant 80 : i32
      %parallel_loop3A_161 = vector.broadcast %parallel_loop3A_160 : i32 to vector<16xi32>
      %parallel_loop3A_162 = arith.addi %parallel_loop3A_161, %iota3A : vector<16xi32>
      %parallel_loop3A_163 = arith.constant 2 : i32
      %parallel_loop3A_164 = vector.broadcast %parallel_loop3A_163 : i32 to vector<16xi32>
      %parallel_loop3A_165 = arith.muli %parallel_loop3A_164, %parallel_loop3A_162 : vector<16xi32>
      tpu.vector_store_idx %arg6[%parallel_loop3A_165, %parallel_loop3A_89], %parallel_loop3A_159 masked %parallel_loop3A_95 : memref<256x104xi32, #tpu.memory_space<vmem>>[vector<16xi32>, vector<16xi32>], vector<16xi32>, vector<16xi1>
      %parallel_loop3A_166 = arith.constant 1 : i32
      %parallel_loop3A_167 = vector.broadcast %parallel_loop3A_166 : i32 to vector<16xi32>
      %parallel_loop3A_168 = arith.addi %parallel_loop3A_165, %parallel_loop3A_167 : vector<16xi32>
      tpu.vector_store_idx %arg6[%parallel_loop3A_168, %parallel_loop3A_94], %parallel_loop3A_159 masked %parallel_loop3A_96 : memref<256x104xi32, #tpu.memory_space<vmem>>[vector<16xi32>, vector<16xi32>], vector<16xi32>, vector<16xi1>
      %parallel_loop3A_169 = arith.index_cast %parallel_loop3A_82 : i32 to index
      %parallel_loop3A_170 = arith.constant 96 : index
      %parallel_loop3A_171 = tpu.vector_load %arg5[%parallel_loop3A_169, %parallel_loop3A_170] {strides = array<i32>} : memref<200x128xi32, #tpu.memory_space<vmem>>, vector<16xi32>,
      %parallel_loop3A_172 = arith.constant 96 : i32
      %parallel_loop3A_173 = vector.broadcast %parallel_loop3A_172 : i32 to vector<16xi32>
      %parallel_loop3A_174 = arith.addi %parallel_loop3A_173, %iota3A : vector<16xi32>
      %parallel_loop3A_175 = arith.constant 2 : i32
      %parallel_loop3A_176 = vector.broadcast %parallel_loop3A_175 : i32 to vector<16xi32>
      %parallel_loop3A_177 = arith.muli %parallel_loop3A_176, %parallel_loop3A_174 : vector<16xi32>
      tpu.vector_store_idx %arg6[%parallel_loop3A_177, %parallel_loop3A_89], %parallel_loop3A_171 masked %parallel_loop3A_95 : memref<256x104xi32, #tpu.memory_space<vmem>>[vector<16xi32>, vector<16xi32>], vector<16xi32>, vector<16xi1>
      %parallel_loop3A_178 = arith.constant 1 : i32
      %parallel_loop3A_179 = vector.broadcast %parallel_loop3A_178 : i32 to vector<16xi32>
      %parallel_loop3A_180 = arith.addi %parallel_loop3A_177, %parallel_loop3A_179 : vector<16xi32>
      tpu.vector_store_idx %arg6[%parallel_loop3A_180, %parallel_loop3A_94], %parallel_loop3A_171 masked %parallel_loop3A_96 : memref<256x104xi32, #tpu.memory_space<vmem>>[vector<16xi32>, vector<16xi32>], vector<16xi32>, vector<16xi1>
      %parallel_loop3A_181 = arith.index_cast %parallel_loop3A_82 : i32 to index
      %parallel_loop3A_182 = arith.constant 112 : index
      %parallel_loop3A_183 = tpu.vector_load %arg5[%parallel_loop3A_181, %parallel_loop3A_182] {strides = array<i32>} : memref<200x128xi32, #tpu.memory_space<vmem>>, vector<16xi32>,
      %parallel_loop3A_184 = arith.constant 112 : i32
      %parallel_loop3A_185 = vector.broadcast %parallel_loop3A_184 : i32 to vector<16xi32>
      %parallel_loop3A_186 = arith.addi %parallel_loop3A_185, %iota3A : vector<16xi32>
      %parallel_loop3A_187 = arith.constant 2 : i32
      %parallel_loop3A_188 = vector.broadcast %parallel_loop3A_187 : i32 to vector<16xi32>
      %parallel_loop3A_189 = arith.muli %parallel_loop3A_188, %parallel_loop3A_186 : vector<16xi32>
      tpu.vector_store_idx %arg6[%parallel_loop3A_189, %parallel_loop3A_89], %parallel_loop3A_183 masked %parallel_loop3A_95 : memref<256x104xi32, #tpu.memory_space<vmem>>[vector<16xi32>, vector<16xi32>], vector<16xi32>, vector<16xi1>
      %parallel_loop3A_190 = arith.constant 1 : i32
      %parallel_loop3A_191 = vector.broadcast %parallel_loop3A_190 : i32 to vector<16xi32>
      %parallel_loop3A_192 = arith.addi %parallel_loop3A_189, %parallel_loop3A_191 : vector<16xi32>
      tpu.vector_store_idx %arg6[%parallel_loop3A_192, %parallel_loop3A_94], %parallel_loop3A_183 masked %parallel_loop3A_96 : memref<256x104xi32, #tpu.memory_space<vmem>>[vector<16xi32>, vector<16xi32>], vector<16xi32>, vector<16xi1>
    } {sc.loop_unroll_factor = 4 : i64, sc.parallel_access}
    %dma_start3A = arith.constant 0 : i32
    %dma_start3A_5 = arith.constant 0 : i32
    %dma_start3A_6 = arith.constant 0 : i32
    %dma_start3A_7 = arith.constant 0 : i32
    %dma_start3A_8 = arith.constant 0 : i32
    %dma_start3A_9 = tpu.memref_slice %arg7[%dma_start3A_5, %dma_start3A_7, %dma_start3A_8] : memref<2x104x128xf32, #tpu.memory_space<vmem>> -> memref<1x104x128xf32, #tpu.memory_space<vmem>>
    %dma_start3A_10 = tpu.memref_squeeze %dma_start3A_9 : memref<1x104x128xf32, #tpu.memory_space<vmem>> -> memref<104x128xf32, #tpu.memory_space<vmem>>
    %dma_start3A_11 = arith.constant 0 : i32
    %dma_start3A_12 = tpu.memref_slice %arg6[%dma_start3A, %dma_start3A_11] : memref<256x104xi32, #tpu.memory_space<vmem>> -> memref<1x104xi32, #tpu.memory_space<vmem>>
    %dma_start3A_13 = tpu.memref_squeeze %dma_start3A_12 : memref<1x104xi32, #tpu.memory_space<vmem>> -> memref<104xi32, #tpu.memory_space<vmem>>
    %dma_start3A_14 = arith.constant 0 : i32
    %dma_start3A_15 = arith.constant 0 : i32
    %dma_start3A_16 = tpu.memref_slice %arg3[%dma_start3A_14, %dma_start3A_15] : memref<100000x128xf32, #tpu.memory_space<hbm>> -> memref<100000x128xf32, #tpu.memory_space<hbm>>
    %dma_start3A_17 = tpu.memref_slice %arg9[%dma_start3A_6] : memref<2x!tpu.dma_semaphore, #tpu.memory_space<semaphore_mem>> -> memref<1x!tpu.dma_semaphore, #tpu.memory_space<semaphore_mem>>
    %dma_start3A_18 = tpu.memref_squeeze %dma_start3A_17 : memref<1x!tpu.dma_semaphore, #tpu.memory_space<semaphore_mem>> -> memref<!tpu.dma_semaphore, #tpu.memory_space<semaphore_mem>>
    tpu.enqueue_indirect_dma source(%dma_start3A_16 : memref<100000x128xf32, #tpu.memory_space<hbm>>) target(%dma_start3A_10 : memref<104x128xf32, #tpu.memory_space<vmem>>) offsets(%dma_start3A_13 : memref<104xi32, #tpu.memory_space<vmem>>) semaphore(%dma_start3A_18 : memref<!tpu.dma_semaphore, #tpu.memory_space<semaphore_mem>>)
    %dma_start3A_19 = arith.constant 1 : i32
    %dma_start3A_20 = arith.constant 1 : i32
    %dma_start3A_21 = arith.constant 1 : i32
    %dma_start3A_22 = arith.constant 0 : i32
    %dma_start3A_23 = arith.constant 0 : i32
    %dma_start3A_24 = tpu.memref_slice %arg7[%dma_start3A_20, %dma_start3A_22, %dma_start3A_23] : memref<2x104x128xf32, #tpu.memory_space<vmem>> -> memref<1x104x128xf32, #tpu.memory_space<vmem>>
    %dma_start3A_25 = tpu.memref_squeeze %dma_start3A_24 : memref<1x104x128xf32, #tpu.memory_space<vmem>> -> memref<104x128xf32, #tpu.memory_space<vmem>>
    %dma_start3A_26 = arith.constant 0 : i32
    %dma_start3A_27 = tpu.memref_slice %arg6[%dma_start3A_19, %dma_start3A_26] : memref<256x104xi32, #tpu.memory_space<vmem>> -> memref<1x104xi32, #tpu.memory_space<vmem>>
    %dma_start3A_28 = tpu.memref_squeeze %dma_start3A_27 : memref<1x104xi32, #tpu.memory_space<vmem>> -> memref<104xi32, #tpu.memory_space<vmem>>
    %dma_start3A_29 = arith.constant 0 : i32
    %dma_start3A_30 = arith.constant 0 : i32
    %dma_start3A_31 = tpu.memref_slice %arg3[%dma_start3A_29, %dma_start3A_30] : memref<100000x128xf32, #tpu.memory_space<hbm>> -> memref<100000x128xf32, #tpu.memory_space<hbm>>
    %dma_start3A_32 = tpu.memref_slice %arg9[%dma_start3A_21] : memref<2x!tpu.dma_semaphore, #tpu.memory_space<semaphore_mem>> -> memref<1x!tpu.dma_semaphore, #tpu.memory_space<semaphore_mem>>
    %dma_start3A_33 = tpu.memref_squeeze %dma_start3A_32 : memref<1x!tpu.dma_semaphore, #tpu.memory_space<semaphore_mem>> -> memref<!tpu.dma_semaphore, #tpu.memory_space<semaphore_mem>>
    tpu.enqueue_indirect_dma source(%dma_start3A_31 : memref<100000x128xf32, #tpu.memory_space<hbm>>) target(%dma_start3A_25 : memref<104x128xf32, #tpu.memory_space<vmem>>) offsets(%dma_start3A_28 : memref<104xi32, #tpu.memory_space<vmem>>) semaphore(%dma_start3A_33 : memref<!tpu.dma_semaphore, #tpu.memory_space<semaphore_mem>>)
    %scan3A = arith.constant 0 : i32
    %scan3A_34 = arith.constant 0 : i32
    %scan3A_35 = arith.constant 128 : i32
    %scan3A_36 = arith.addi %scan3A_34, %scan3A_35 : i32
    %scan3A_37 = arith.constant 1 : i32
    scf.for %scan3A_82 = %scan3A_34 to %scan3A_36 step %scan3A_37  : i32 {
      %mul3A_83 = arith.constant 2 : i32
      %mul3A_84 = arith.muli %scan3A_82, %mul3A_83 : i32
      %add3A_85 = arith.constant 0 : i32
      %add3A_86 = arith.addi %mul3A_84, %add3A_85 : i32
      %dma_wait3A_87 = arith.constant 0 : i32
      %dma_wait3A_88 = arith.constant 0 : i32
      %dma_wait3A_89 = arith.constant 0 : i32
      %dma_wait3A_90 = arith.constant 0 : i32
      %dma_wait3A_91 = tpu.memref_slice %arg7[%dma_wait3A_87, %dma_wait3A_89, %dma_wait3A_90] : memref<2x104x128xf32, #tpu.memory_space<vmem>> -> memref<1x104x128xf32, #tpu.memory_space<vmem>>
      %dma_wait3A_92 = tpu.memref_squeeze %dma_wait3A_91 : memref<1x104x128xf32, #tpu.memory_space<vmem>> -> memref<104x128xf32, #tpu.memory_space<vmem>>
      %dma_wait3A_93 = arith.constant 0 : i32
      %dma_wait3A_94 = tpu.memref_slice %arg6[%add3A_86, %dma_wait3A_93] : memref<256x104xi32, #tpu.memory_space<vmem>> -> memref<1x104xi32, #tpu.memory_space<vmem>>
      %dma_wait3A_95 = tpu.memref_squeeze %dma_wait3A_94 : memref<1x104xi32, #tpu.memory_space<vmem>> -> memref<104xi32, #tpu.memory_space<vmem>>
      %dma_wait3A_96 = arith.constant 0 : i32
      %dma_wait3A_97 = arith.constant 0 : i32
      %dma_wait3A_98 = tpu.memref_slice %arg3[%dma_wait3A_96, %dma_wait3A_97] : memref<100000x128xf32, #tpu.memory_space<hbm>> -> memref<100000x128xf32, #tpu.memory_space<hbm>>
      %dma_wait3A_99 = tpu.memref_slice %arg9[%dma_wait3A_88] : memref<2x!tpu.dma_semaphore, #tpu.memory_space<semaphore_mem>> -> memref<1x!tpu.dma_semaphore, #tpu.memory_space<semaphore_mem>>
      %dma_wait3A_100 = tpu.memref_squeeze %dma_wait3A_99 : memref<1x!tpu.dma_semaphore, #tpu.memory_space<semaphore_mem>> -> memref<!tpu.dma_semaphore, #tpu.memory_space<semaphore_mem>>
      tpu.wait_indirect_dma semaphore(%dma_wait3A_100 : memref<!tpu.dma_semaphore, #tpu.memory_space<semaphore_mem>>) src(%dma_wait3A_98 : memref<100000x128xf32, #tpu.memory_space<hbm>>) dst(%dma_wait3A_92 : memref<104x128xf32, #tpu.memory_space<vmem>>)
      %ge3A = arith.constant 2 : i32
      %ge3A_101 = arith.cmpi sge, %add3A_86, %ge3A : i32
      %convert_element_type3A = arith.extui %ge3A_101 : i1 to i32
      %cond3A = arith.constant 0 : i32
      %cond3A_102 = arith.cmpi ne, %convert_element_type3A, %cond3A : i32
      scf.if %cond3A_102 {
        %sub3A_256 = arith.constant 2 : i32
        %sub3A_257 = arith.subi %add3A_86, %sub3A_256 : i32
        %jit3A_258 = arith.constant 2 : i32
        %div3A_259 = arith.divsi %sub3A_257, %jit3A_258 : i32
        %sign3A_260 = arith.constant 0 : i32
        %sign3A_261 = arith.cmpi sgt, %sub3A_257, %sign3A_260 : i32
        %sign3A_262 = arith.extui %sign3A_261 : i1 to i32
        %sign3A_263 = arith.constant 0 : i32
        %sign3A_264 = arith.cmpi slt, %sub3A_257, %sign3A_263 : i32
        %sign3A_265 = arith.extui %sign3A_264 : i1 to i32
        %sign3A_266 = arith.subi %sign3A_262, %sign3A_265 : i32
        %sign3A_267 = arith.constant 0 : i32
        %sign3A_268 = arith.cmpi sgt, %jit3A_258, %sign3A_267 : i32
        %sign3A_269 = arith.extui %sign3A_268 : i1 to i32
        %sign3A_270 = arith.constant 0 : i32
        %sign3A_271 = arith.cmpi slt, %jit3A_258, %sign3A_270 : i32
        %sign3A_272 = arith.extui %sign3A_271 : i1 to i32
        %sign3A_273 = arith.subi %sign3A_269, %sign3A_272 : i32
        %ne3A_274 = arith.cmpi ne, %sign3A_266, %sign3A_273 : i32
        %rem3A_275 = arith.remsi %sub3A_257, %jit3A_258 : i32
        %ne3A_276 = arith.constant 0 : i32
        %ne3A_277 = arith.cmpi ne, %rem3A_275, %ne3A_276 : i32
        %and3A_278 = arith.andi %ne3A_274, %ne3A_277 : i1
        %sub3A_279 = arith.constant 1 : i32
        %sub3A_280 = arith.subi %div3A_259, %sub3A_279 : i32
        %select_n3A_281 = arith.select %and3A_278, %sub3A_280, %div3A_259 : i32
        %add3A_282 = arith.addi %mul3A_2, %select_n3A_281 : i32
        %jit3A_283 = arith.constant 2 : i32
        %eq3A_284 = arith.constant 0 : i32
        %eq3A_285 = arith.cmpi eq, %jit3A_283, %eq3A_284 : i32
        %jit3A_286 = arith.constant 1 : i32
        %select_n3A_287 = arith.select %eq3A_285, %jit3A_286, %jit3A_283 : i32
        %rem3A_288 = arith.remsi %sub3A_257, %select_n3A_287 : i32
        %ne3A_289 = arith.constant 0 : i32
        %ne3A_290 = arith.cmpi ne, %rem3A_288, %ne3A_289 : i32
        %lt3A_291 = arith.constant 0 : i32
        %lt3A_292 = arith.cmpi slt, %rem3A_288, %lt3A_291 : i32
        %lt3A_293 = arith.constant 0 : i32
        %lt3A_294 = arith.cmpi slt, %select_n3A_287, %lt3A_293 : i32
        %ne3A_295 = arith.xori %lt3A_292, %lt3A_294 : i1
        %and3A_296 = arith.andi %ne3A_295, %ne3A_290 : i1
        %add3A_297 = arith.addi %rem3A_288, %select_n3A_287 : i32
        %select_n3A_298 = arith.select %and3A_296, %add3A_297, %rem3A_288 : i32
        %mul3A_299 = arith.constant 96 : i32
        %mul3A_300 = arith.muli %select_n3A_298, %mul3A_299 : i32
        %dma_wait3A_301 = arith.constant 0 : i32
        %dma_wait3A_302 = arith.constant 0 : i32
        %dma_wait3A_303 = arith.constant 0 : i32
        %dma_wait3A_304 = arith.constant 0 : i32
        %dma_wait3A_305 = tpu.memref_slice %arg8[%dma_wait3A_301, %dma_wait3A_303, %dma_wait3A_304] : memref<2x104x64xf32, #tpu.memory_space<vmem>> -> memref<1x104x64xf32, #tpu.memory_space<vmem>>
        %dma_wait3A_306 = tpu.memref_squeeze %dma_wait3A_305 : memref<1x104x64xf32, #tpu.memory_space<vmem>> -> memref<104x64xf32, #tpu.memory_space<vmem>>
        %dma_wait3A_307 = arith.constant 0 : i32
        %dma_wait3A_308 = tpu.memref_slice %arg4[%add3A_282, %mul3A_300, %dma_wait3A_307] : memref<4096x200x64xf32, #tpu.memory_space<hbm>> -> memref<1x104x64xf32, #tpu.memory_space<hbm>>
        %dma_wait3A_309 = tpu.memref_squeeze %dma_wait3A_308 : memref<1x104x64xf32, #tpu.memory_space<hbm>> -> memref<104x64xf32, #tpu.memory_space<hbm>>
        %dma_wait3A_310 = tpu.memref_slice %arg10[%dma_wait3A_302] : memref<2x!tpu.dma_semaphore, #tpu.memory_space<semaphore_mem>> -> memref<1x!tpu.dma_semaphore, #tpu.memory_space<semaphore_mem>>
        %dma_wait3A_311 = tpu.memref_squeeze %dma_wait3A_310 : memref<1x!tpu.dma_semaphore, #tpu.memory_space<semaphore_mem>> -> memref<!tpu.dma_semaphore, #tpu.memory_space<semaphore_mem>>
        %dma_wait3A_312 = arith.constant 0 : i32
        %dma_wait3A_313 = tpu.memref_slice %arg4[%add3A_282, %mul3A_300, %dma_wait3A_312] : memref<4096x200x64xf32, #tpu.memory_space<hbm>> -> memref<1x104x64xf32, #tpu.memory_space<hbm>>
        %dma_wait3A_314 = tpu.memref_squeeze %dma_wait3A_313 : memref<1x104x64xf32, #tpu.memory_space<hbm>> -> memref<104x64xf32, #tpu.memory_space<hbm>>
        %dma_wait3A_315 = arith.constant 0 : i32
        %dma_wait3A_316 = arith.constant 0 : i32
        %dma_wait3A_317 = tpu.memref_slice %arg8[%dma_wait3A_301, %dma_wait3A_315, %dma_wait3A_316] : memref<2x104x64xf32, #tpu.memory_space<vmem>> -> memref<1x104x64xf32, #tpu.memory_space<vmem>>
        %dma_wait3A_318 = tpu.memref_squeeze %dma_wait3A_317 : memref<1x104x64xf32, #tpu.memory_space<vmem>> -> memref<104x64xf32, #tpu.memory_space<vmem>>
        tpu.wait_dma2 semaphore(%dma_wait3A_311 : memref<!tpu.dma_semaphore, #tpu.memory_space<semaphore_mem>>) src(%dma_wait3A_318 : memref<104x64xf32, #tpu.memory_space<vmem>>) dst(%dma_wait3A_314 : memref<104x64xf32, #tpu.memory_space<hbm>>)
      } else {
      }
      %parallel_loop3A_103 = arith.constant 0 : i32
      %parallel_loop3A_104 = arith.constant 104 : i32
      %parallel_loop3A_105 = arith.constant 1 : i32
      scf.for %parallel_loop3A_256 = %parallel_loop3A_103 to %parallel_loop3A_104 step %parallel_loop3A_105  : i32 {
        %parallel_loop3A_257 = arith.constant 0 : i32
        %parallel_loop3A_258 = arith.index_cast %parallel_loop3A_257 : i32 to index
        %parallel_loop3A_259 = arith.index_cast %parallel_loop3A_256 : i32 to index
        %parallel_loop3A_260 = arith.constant 0 : index
        %parallel_loop3A_261 = tpu.vector_load %arg7[%parallel_loop3A_258, %parallel_loop3A_259, %parallel_loop3A_260] {strides = array<i32>} : memref<2x104x128xf32, #tpu.memory_space<vmem>>, vector<16xf32>,
        %parallel_loop3A_262 = arith.constant 0 : i32
        %parallel_loop3A_263 = arith.index_cast %parallel_loop3A_262 : i32 to index
        %parallel_loop3A_264 = arith.index_cast %parallel_loop3A_256 : i32 to index
        %parallel_loop3A_265 = arith.constant 0 : index
        %parallel_loop3A_266 = tpu.vector_load %arg8[%parallel_loop3A_263, %parallel_loop3A_264, %parallel_loop3A_265] {strides = array<i32>} : memref<2x104x64xf32, #tpu.memory_space<vmem>>, vector<16xf32>,
        tpu.vector_store %arg8[%parallel_loop3A_263, %parallel_loop3A_264, %parallel_loop3A_265], %parallel_loop3A_261 {strides = array<i32>} : memref<2x104x64xf32, #tpu.memory_space<vmem>>, vector<16xf32>,
        %parallel_loop3A_267 = arith.constant 0 : i32
        %parallel_loop3A_268 = arith.index_cast %parallel_loop3A_267 : i32 to index
        %parallel_loop3A_269 = arith.index_cast %parallel_loop3A_256 : i32 to index
        %parallel_loop3A_270 = arith.constant 16 : index
        %parallel_loop3A_271 = tpu.vector_load %arg7[%parallel_loop3A_268, %parallel_loop3A_269, %parallel_loop3A_270] {strides = array<i32>} : memref<2x104x128xf32, #tpu.memory_space<vmem>>, vector<16xf32>,
        %parallel_loop3A_272 = arith.constant 0 : i32
        %parallel_loop3A_273 = arith.index_cast %parallel_loop3A_272 : i32 to index
        %parallel_loop3A_274 = arith.index_cast %parallel_loop3A_256 : i32 to index
        %parallel_loop3A_275 = arith.constant 16 : index
        %parallel_loop3A_276 = tpu.vector_load %arg8[%parallel_loop3A_273, %parallel_loop3A_274, %parallel_loop3A_275] {strides = array<i32>} : memref<2x104x64xf32, #tpu.memory_space<vmem>>, vector<16xf32>,
        tpu.vector_store %arg8[%parallel_loop3A_273, %parallel_loop3A_274, %parallel_loop3A_275], %parallel_loop3A_271 {strides = array<i32>} : memref<2x104x64xf32, #tpu.memory_space<vmem>>, vector<16xf32>,
        %parallel_loop3A_277 = arith.constant 0 : i32
        %parallel_loop3A_278 = arith.index_cast %parallel_loop3A_277 : i32 to index
        %parallel_loop3A_279 = arith.index_cast %parallel_loop3A_256 : i32 to index
        %parallel_loop3A_280 = arith.constant 32 : index
        %parallel_loop3A_281 = tpu.vector_load %arg7[%parallel_loop3A_278, %parallel_loop3A_279, %parallel_loop3A_280] {strides = array<i32>} : memref<2x104x128xf32, #tpu.memory_space<vmem>>, vector<16xf32>,
        %parallel_loop3A_282 = arith.constant 0 : i32
        %parallel_loop3A_283 = arith.index_cast %parallel_loop3A_282 : i32 to index
        %parallel_loop3A_284 = arith.index_cast %parallel_loop3A_256 : i32 to index
        %parallel_loop3A_285 = arith.constant 32 : index
        %parallel_loop3A_286 = tpu.vector_load %arg8[%parallel_loop3A_283, %parallel_loop3A_284, %parallel_loop3A_285] {strides = array<i32>} : memref<2x104x64xf32, #tpu.memory_space<vmem>>, vector<16xf32>,
        tpu.vector_store %arg8[%parallel_loop3A_283, %parallel_loop3A_284, %parallel_loop3A_285], %parallel_loop3A_281 {strides = array<i32>} : memref<2x104x64xf32, #tpu.memory_space<vmem>>, vector<16xf32>,
        %parallel_loop3A_287 = arith.constant 0 : i32
        %parallel_loop3A_288 = arith.index_cast %parallel_loop3A_287 : i32 to index
        %parallel_loop3A_289 = arith.index_cast %parallel_loop3A_256 : i32 to index
        %parallel_loop3A_290 = arith.constant 48 : index
        %parallel_loop3A_291 = tpu.vector_load %arg7[%parallel_loop3A_288, %parallel_loop3A_289, %parallel_loop3A_290] {strides = array<i32>} : memref<2x104x128xf32, #tpu.memory_space<vmem>>, vector<16xf32>,
        %parallel_loop3A_292 = arith.constant 0 : i32
        %parallel_loop3A_293 = arith.index_cast %parallel_loop3A_292 : i32 to index
        %parallel_loop3A_294 = arith.index_cast %parallel_loop3A_256 : i32 to index
        %parallel_loop3A_295 = arith.constant 48 : index
        %parallel_loop3A_296 = tpu.vector_load %arg8[%parallel_loop3A_293, %parallel_loop3A_294, %parallel_loop3A_295] {strides = array<i32>} : memref<2x104x64xf32, #tpu.memory_space<vmem>>, vector<16xf32>,
        tpu.vector_store %arg8[%parallel_loop3A_293, %parallel_loop3A_294, %parallel_loop3A_295], %parallel_loop3A_291 {strides = array<i32>} : memref<2x104x64xf32, #tpu.memory_space<vmem>>, vector<16xf32>,
      } {sc.loop_unroll_factor = 4 : i64, sc.parallel_access}
      %jit3A = arith.constant 2 : i32
      %div3A = arith.divsi %add3A_86, %jit3A : i32
      %sign3A = arith.constant 0 : i32
      %sign3A_106 = arith.cmpi sgt, %add3A_86, %sign3A : i32
      %sign3A_107 = arith.extui %sign3A_106 : i1 to i32
      %sign3A_108 = arith.constant 0 : i32
      %sign3A_109 = arith.cmpi slt, %add3A_86, %sign3A_108 : i32
      %sign3A_110 = arith.extui %sign3A_109 : i1 to i32
      %sign3A_111 = arith.subi %sign3A_107, %sign3A_110 : i32
      %sign3A_112 = arith.constant 0 : i32
      %sign3A_113 = arith.cmpi sgt, %jit3A, %sign3A_112 : i32
      %sign3A_114 = arith.extui %sign3A_113 : i1 to i32
      %sign3A_115 = arith.constant 0 : i32
      %sign3A_116 = arith.cmpi slt, %jit3A, %sign3A_115 : i32
      %sign3A_117 = arith.extui %sign3A_116 : i1 to i32
      %sign3A_118 = arith.subi %sign3A_114, %sign3A_117 : i32
      %ne3A = arith.cmpi ne, %sign3A_111, %sign3A_118 : i32
      %rem3A = arith.remsi %add3A_86, %jit3A : i32
      %ne3A_119 = arith.constant 0 : i32
      %ne3A_120 = arith.cmpi ne, %rem3A, %ne3A_119 : i32
      %and3A = arith.andi %ne3A, %ne3A_120 : i1
      %sub3A = arith.constant 1 : i32
      %sub3A_121 = arith.subi %div3A, %sub3A : i32
      %select_n3A = arith.select %and3A, %sub3A_121, %div3A : i32
      %add3A_122 = arith.addi %mul3A_2, %select_n3A : i32
      %jit3A_123 = arith.constant 2 : i32
      %eq3A = arith.constant 0 : i32
      %eq3A_124 = arith.cmpi eq, %jit3A_123, %eq3A : i32
      %jit3A_125 = arith.constant 1 : i32
      %select_n3A_126 = arith.select %eq3A_124, %jit3A_125, %jit3A_123 : i32
      %rem3A_127 = arith.remsi %add3A_86, %select_n3A_126 : i32
      %ne3A_128 = arith.constant 0 : i32
      %ne3A_129 = arith.cmpi ne, %rem3A_127, %ne3A_128 : i32
      %lt3A = arith.constant 0 : i32
      %lt3A_130 = arith.cmpi slt, %rem3A_127, %lt3A : i32
      %lt3A_131 = arith.constant 0 : i32
      %lt3A_132 = arith.cmpi slt, %select_n3A_126, %lt3A_131 : i32
      %ne3A_133 = arith.xori %lt3A_130, %lt3A_132 : i1
      %and3A_134 = arith.andi %ne3A_133, %ne3A_129 : i1
      %add3A_135 = arith.addi %rem3A_127, %select_n3A_126 : i32
      %select_n3A_136 = arith.select %and3A_134, %add3A_135, %rem3A_127 : i32
      %mul3A_137 = arith.constant 96 : i32
      %mul3A_138 = arith.muli %select_n3A_136, %mul3A_137 : i32
      %dma_start3A_139 = arith.constant 0 : i32
      %dma_start3A_140 = arith.constant 0 : i32
      %dma_start3A_141 = arith.constant 0 : i32
      %dma_start3A_142 = arith.constant 0 : i32
      %dma_start3A_143 = tpu.memref_slice %arg8[%dma_start3A_139, %dma_start3A_141, %dma_start3A_142] : memref<2x104x64xf32, #tpu.memory_space<vmem>> -> memref<1x104x64xf32, #tpu.memory_space<vmem>>
      %dma_start3A_144 = tpu.memref_squeeze %dma_start3A_143 : memref<1x104x64xf32, #tpu.memory_space<vmem>> -> memref<104x64xf32, #tpu.memory_space<vmem>>
      %dma_start3A_145 = arith.constant 0 : i32
      %dma_start3A_146 = tpu.memref_slice %arg4[%add3A_122, %mul3A_138, %dma_start3A_145] : memref<4096x200x64xf32, #tpu.memory_space<hbm>> -> memref<1x104x64xf32, #tpu.memory_space<hbm>>
      %dma_start3A_147 = tpu.memref_squeeze %dma_start3A_146 : memref<1x104x64xf32, #tpu.memory_space<hbm>> -> memref<104x64xf32, #tpu.memory_space<hbm>>
      %dma_start3A_148 = tpu.memref_slice %arg10[%dma_start3A_140] : memref<2x!tpu.dma_semaphore, #tpu.memory_space<semaphore_mem>> -> memref<1x!tpu.dma_semaphore, #tpu.memory_space<semaphore_mem>>
      %dma_start3A_149 = tpu.memref_squeeze %dma_start3A_148 : memref<1x!tpu.dma_semaphore, #tpu.memory_space<semaphore_mem>> -> memref<!tpu.dma_semaphore, #tpu.memory_space<semaphore_mem>>
      %dma_start3A_150 = arith.constant 0 : i32
      %dma_start3A_151 = tpu.memref_slice %arg4[%add3A_122, %mul3A_138, %dma_start3A_150] : memref<4096x200x64xf32, #tpu.memory_space<hbm>> -> memref<1x104x64xf32, #tpu.memory_space<hbm>>
      %dma_start3A_152 = tpu.memref_squeeze %dma_start3A_151 : memref<1x104x64xf32, #tpu.memory_space<hbm>> -> memref<104x64xf32, #tpu.memory_space<hbm>>
      %dma_start3A_153 = arith.constant 0 : i32
      %dma_start3A_154 = arith.constant 0 : i32
      %dma_start3A_155 = tpu.memref_slice %arg8[%dma_start3A_139, %dma_start3A_153, %dma_start3A_154] : memref<2x104x64xf32, #tpu.memory_space<vmem>> -> memref<1x104x64xf32, #tpu.memory_space<vmem>>
      %dma_start3A_156 = tpu.memref_squeeze %dma_start3A_155 : memref<1x104x64xf32, #tpu.memory_space<vmem>> -> memref<104x64xf32, #tpu.memory_space<vmem>>
      tpu.enqueue_dma source(%dma_start3A_156 : memref<104x64xf32, #tpu.memory_space<vmem>>) target(%dma_start3A_152 : memref<104x64xf32, #tpu.memory_space<hbm>>) target_semaphore(%dma_start3A_149 : memref<!tpu.dma_semaphore, #tpu.memory_space<semaphore_mem>>)
      %add3A_157 = arith.constant 2 : i32
      %add3A_158 = arith.addi %add3A_86, %add3A_157 : i32
      %lt3A_159 = arith.constant 256 : i32
      %lt3A_160 = arith.cmpi slt, %add3A_158, %lt3A_159 : i32
      %convert_element_type3A_161 = arith.extui %lt3A_160 : i1 to i32
      %cond3A_162 = arith.constant 0 : i32
      %cond3A_163 = arith.cmpi ne, %convert_element_type3A_161, %cond3A_162 : i32
      scf.if %cond3A_163 {
        %add3A_256 = arith.constant 2 : i32
        %add3A_257 = arith.addi %add3A_86, %add3A_256 : i32
        %dma_start3A_258 = arith.constant 0 : i32
        %dma_start3A_259 = arith.constant 0 : i32
        %dma_start3A_260 = arith.constant 0 : i32
        %dma_start3A_261 = arith.constant 0 : i32
        %dma_start3A_262 = tpu.memref_slice %arg7[%dma_start3A_258, %dma_start3A_260, %dma_start3A_261] : memref<2x104x128xf32, #tpu.memory_space<vmem>> -> memref<1x104x128xf32, #tpu.memory_space<vmem>>
        %dma_start3A_263 = tpu.memref_squeeze %dma_start3A_262 : memref<1x104x128xf32, #tpu.memory_space<vmem>> -> memref<104x128xf32, #tpu.memory_space<vmem>>
        %dma_start3A_264 = arith.constant 0 : i32
        %dma_start3A_265 = tpu.memref_slice %arg6[%add3A_257, %dma_start3A_264] : memref<256x104xi32, #tpu.memory_space<vmem>> -> memref<1x104xi32, #tpu.memory_space<vmem>>
        %dma_start3A_266 = tpu.memref_squeeze %dma_start3A_265 : memref<1x104xi32, #tpu.memory_space<vmem>> -> memref<104xi32, #tpu.memory_space<vmem>>
        %dma_start3A_267 = arith.constant 0 : i32
        %dma_start3A_268 = arith.constant 0 : i32
        %dma_start3A_269 = tpu.memref_slice %arg3[%dma_start3A_267, %dma_start3A_268] : memref<100000x128xf32, #tpu.memory_space<hbm>> -> memref<100000x128xf32, #tpu.memory_space<hbm>>
        %dma_start3A_270 = tpu.memref_slice %arg9[%dma_start3A_259] : memref<2x!tpu.dma_semaphore, #tpu.memory_space<semaphore_mem>> -> memref<1x!tpu.dma_semaphore, #tpu.memory_space<semaphore_mem>>
        %dma_start3A_271 = tpu.memref_squeeze %dma_start3A_270 : memref<1x!tpu.dma_semaphore, #tpu.memory_space<semaphore_mem>> -> memref<!tpu.dma_semaphore, #tpu.memory_space<semaphore_mem>>
        tpu.enqueue_indirect_dma source(%dma_start3A_269 : memref<100000x128xf32, #tpu.memory_space<hbm>>) target(%dma_start3A_263 : memref<104x128xf32, #tpu.memory_space<vmem>>) offsets(%dma_start3A_266 : memref<104xi32, #tpu.memory_space<vmem>>) semaphore(%dma_start3A_271 : memref<!tpu.dma_semaphore, #tpu.memory_space<semaphore_mem>>)
      } else {
      }
      %add3A_164 = arith.constant 1 : i32
      %add3A_165 = arith.addi %mul3A_84, %add3A_164 : i32
      %dma_wait3A_166 = arith.constant 1 : i32
      %dma_wait3A_167 = arith.constant 1 : i32
      %dma_wait3A_168 = arith.constant 0 : i32
      %dma_wait3A_169 = arith.constant 0 : i32
      %dma_wait3A_170 = tpu.memref_slice %arg7[%dma_wait3A_166, %dma_wait3A_168, %dma_wait3A_169] : memref<2x104x128xf32, #tpu.memory_space<vmem>> -> memref<1x104x128xf32, #tpu.memory_space<vmem>>
      %dma_wait3A_171 = tpu.memref_squeeze %dma_wait3A_170 : memref<1x104x128xf32, #tpu.memory_space<vmem>> -> memref<104x128xf32, #tpu.memory_space<vmem>>
      %dma_wait3A_172 = arith.constant 0 : i32
      %dma_wait3A_173 = tpu.memref_slice %arg6[%add3A_165, %dma_wait3A_172] : memref<256x104xi32, #tpu.memory_space<vmem>> -> memref<1x104xi32, #tpu.memory_space<vmem>>
      %dma_wait3A_174 = tpu.memref_squeeze %dma_wait3A_173 : memref<1x104xi32, #tpu.memory_space<vmem>> -> memref<104xi32, #tpu.memory_space<vmem>>
      %dma_wait3A_175 = arith.constant 0 : i32
      %dma_wait3A_176 = arith.constant 0 : i32
      %dma_wait3A_177 = tpu.memref_slice %arg3[%dma_wait3A_175, %dma_wait3A_176] : memref<100000x128xf32, #tpu.memory_space<hbm>> -> memref<100000x128xf32, #tpu.memory_space<hbm>>
      %dma_wait3A_178 = tpu.memref_slice %arg9[%dma_wait3A_167] : memref<2x!tpu.dma_semaphore, #tpu.memory_space<semaphore_mem>> -> memref<1x!tpu.dma_semaphore, #tpu.memory_space<semaphore_mem>>
      %dma_wait3A_179 = tpu.memref_squeeze %dma_wait3A_178 : memref<1x!tpu.dma_semaphore, #tpu.memory_space<semaphore_mem>> -> memref<!tpu.dma_semaphore, #tpu.memory_space<semaphore_mem>>
      tpu.wait_indirect_dma semaphore(%dma_wait3A_179 : memref<!tpu.dma_semaphore, #tpu.memory_space<semaphore_mem>>) src(%dma_wait3A_177 : memref<100000x128xf32, #tpu.memory_space<hbm>>) dst(%dma_wait3A_171 : memref<104x128xf32, #tpu.memory_space<vmem>>)
      %ge3A_180 = arith.constant 2 : i32
      %ge3A_181 = arith.cmpi sge, %add3A_165, %ge3A_180 : i32
      %convert_element_type3A_182 = arith.extui %ge3A_181 : i1 to i32
      %cond3A_183 = arith.constant 0 : i32
      %cond3A_184 = arith.cmpi ne, %convert_element_type3A_182, %cond3A_183 : i32
      scf.if %cond3A_184 {
        %sub3A_256 = arith.constant 2 : i32
        %sub3A_257 = arith.subi %add3A_165, %sub3A_256 : i32
        %jit3A_258 = arith.constant 2 : i32
        %div3A_259 = arith.divsi %sub3A_257, %jit3A_258 : i32
        %sign3A_260 = arith.constant 0 : i32
        %sign3A_261 = arith.cmpi sgt, %sub3A_257, %sign3A_260 : i32
        %sign3A_262 = arith.extui %sign3A_261 : i1 to i32
        %sign3A_263 = arith.constant 0 : i32
        %sign3A_264 = arith.cmpi slt, %sub3A_257, %sign3A_263 : i32
        %sign3A_265 = arith.extui %sign3A_264 : i1 to i32
        %sign3A_266 = arith.subi %sign3A_262, %sign3A_265 : i32
        %sign3A_267 = arith.constant 0 : i32
        %sign3A_268 = arith.cmpi sgt, %jit3A_258, %sign3A_267 : i32
        %sign3A_269 = arith.extui %sign3A_268 : i1 to i32
        %sign3A_270 = arith.constant 0 : i32
        %sign3A_271 = arith.cmpi slt, %jit3A_258, %sign3A_270 : i32
        %sign3A_272 = arith.extui %sign3A_271 : i1 to i32
        %sign3A_273 = arith.subi %sign3A_269, %sign3A_272 : i32
        %ne3A_274 = arith.cmpi ne, %sign3A_266, %sign3A_273 : i32
        %rem3A_275 = arith.remsi %sub3A_257, %jit3A_258 : i32
        %ne3A_276 = arith.constant 0 : i32
        %ne3A_277 = arith.cmpi ne, %rem3A_275, %ne3A_276 : i32
        %and3A_278 = arith.andi %ne3A_274, %ne3A_277 : i1
        %sub3A_279 = arith.constant 1 : i32
        %sub3A_280 = arith.subi %div3A_259, %sub3A_279 : i32
        %select_n3A_281 = arith.select %and3A_278, %sub3A_280, %div3A_259 : i32
        %add3A_282 = arith.addi %mul3A_2, %select_n3A_281 : i32
        %jit3A_283 = arith.constant 2 : i32
        %eq3A_284 = arith.constant 0 : i32
        %eq3A_285 = arith.cmpi eq, %jit3A_283, %eq3A_284 : i32
        %jit3A_286 = arith.constant 1 : i32
        %select_n3A_287 = arith.select %eq3A_285, %jit3A_286, %jit3A_283 : i32
        %rem3A_288 = arith.remsi %sub3A_257, %select_n3A_287 : i32
        %ne3A_289 = arith.constant 0 : i32
        %ne3A_290 = arith.cmpi ne, %rem3A_288, %ne3A_289 : i32
        %lt3A_291 = arith.constant 0 : i32
        %lt3A_292 = arith.cmpi slt, %rem3A_288, %lt3A_291 : i32
        %lt3A_293 = arith.constant 0 : i32
        %lt3A_294 = arith.cmpi slt, %select_n3A_287, %lt3A_293 : i32
        %ne3A_295 = arith.xori %lt3A_292, %lt3A_294 : i1
        %and3A_296 = arith.andi %ne3A_295, %ne3A_290 : i1
        %add3A_297 = arith.addi %rem3A_288, %select_n3A_287 : i32
        %select_n3A_298 = arith.select %and3A_296, %add3A_297, %rem3A_288 : i32
        %mul3A_299 = arith.constant 96 : i32
        %mul3A_300 = arith.muli %select_n3A_298, %mul3A_299 : i32
        %dma_wait3A_301 = arith.constant 1 : i32
        %dma_wait3A_302 = arith.constant 1 : i32
        %dma_wait3A_303 = arith.constant 0 : i32
        %dma_wait3A_304 = arith.constant 0 : i32
        %dma_wait3A_305 = tpu.memref_slice %arg8[%dma_wait3A_301, %dma_wait3A_303, %dma_wait3A_304] : memref<2x104x64xf32, #tpu.memory_space<vmem>> -> memref<1x104x64xf32, #tpu.memory_space<vmem>>
        %dma_wait3A_306 = tpu.memref_squeeze %dma_wait3A_305 : memref<1x104x64xf32, #tpu.memory_space<vmem>> -> memref<104x64xf32, #tpu.memory_space<vmem>>
        %dma_wait3A_307 = arith.constant 0 : i32
        %dma_wait3A_308 = tpu.memref_slice %arg4[%add3A_282, %mul3A_300, %dma_wait3A_307] : memref<4096x200x64xf32, #tpu.memory_space<hbm>> -> memref<1x104x64xf32, #tpu.memory_space<hbm>>
        %dma_wait3A_309 = tpu.memref_squeeze %dma_wait3A_308 : memref<1x104x64xf32, #tpu.memory_space<hbm>> -> memref<104x64xf32, #tpu.memory_space<hbm>>
        %dma_wait3A_310 = tpu.memref_slice %arg10[%dma_wait3A_302] : memref<2x!tpu.dma_semaphore, #tpu.memory_space<semaphore_mem>> -> memref<1x!tpu.dma_semaphore, #tpu.memory_space<semaphore_mem>>
        %dma_wait3A_311 = tpu.memref_squeeze %dma_wait3A_310 : memref<1x!tpu.dma_semaphore, #tpu.memory_space<semaphore_mem>> -> memref<!tpu.dma_semaphore, #tpu.memory_space<semaphore_mem>>
        %dma_wait3A_312 = arith.constant 0 : i32
        %dma_wait3A_313 = tpu.memref_slice %arg4[%add3A_282, %mul3A_300, %dma_wait3A_312] : memref<4096x200x64xf32, #tpu.memory_space<hbm>> -> memref<1x104x64xf32, #tpu.memory_space<hbm>>
        %dma_wait3A_314 = tpu.memref_squeeze %dma_wait3A_313 : memref<1x104x64xf32, #tpu.memory_space<hbm>> -> memref<104x64xf32, #tpu.memory_space<hbm>>
        %dma_wait3A_315 = arith.constant 0 : i32
        %dma_wait3A_316 = arith.constant 0 : i32
        %dma_wait3A_317 = tpu.memref_slice %arg8[%dma_wait3A_301, %dma_wait3A_315, %dma_wait3A_316] : memref<2x104x64xf32, #tpu.memory_space<vmem>> -> memref<1x104x64xf32, #tpu.memory_space<vmem>>
        %dma_wait3A_318 = tpu.memref_squeeze %dma_wait3A_317 : memref<1x104x64xf32, #tpu.memory_space<vmem>> -> memref<104x64xf32, #tpu.memory_space<vmem>>
        tpu.wait_dma2 semaphore(%dma_wait3A_311 : memref<!tpu.dma_semaphore, #tpu.memory_space<semaphore_mem>>) src(%dma_wait3A_318 : memref<104x64xf32, #tpu.memory_space<vmem>>) dst(%dma_wait3A_314 : memref<104x64xf32, #tpu.memory_space<hbm>>)
      } else {
      }
      %parallel_loop3A_185 = arith.constant 0 : i32
      %parallel_loop3A_186 = arith.constant 104 : i32
      %parallel_loop3A_187 = arith.constant 1 : i32
      scf.for %parallel_loop3A_256 = %parallel_loop3A_185 to %parallel_loop3A_186 step %parallel_loop3A_187  : i32 {
        %parallel_loop3A_257 = arith.constant 1 : i32
        %parallel_loop3A_258 = arith.index_cast %parallel_loop3A_257 : i32 to index
        %parallel_loop3A_259 = arith.index_cast %parallel_loop3A_256 : i32 to index
        %parallel_loop3A_260 = arith.constant 0 : index
        %parallel_loop3A_261 = tpu.vector_load %arg7[%parallel_loop3A_258, %parallel_loop3A_259, %parallel_loop3A_260] {strides = array<i32>} : memref<2x104x128xf32, #tpu.memory_space<vmem>>, vector<16xf32>,
        %parallel_loop3A_262 = arith.constant 1 : i32
        %parallel_loop3A_263 = arith.index_cast %parallel_loop3A_262 : i32 to index
        %parallel_loop3A_264 = arith.index_cast %parallel_loop3A_256 : i32 to index
        %parallel_loop3A_265 = arith.constant 0 : index
        %parallel_loop3A_266 = tpu.vector_load %arg8[%parallel_loop3A_263, %parallel_loop3A_264, %parallel_loop3A_265] {strides = array<i32>} : memref<2x104x64xf32, #tpu.memory_space<vmem>>, vector<16xf32>,
        tpu.vector_store %arg8[%parallel_loop3A_263, %parallel_loop3A_264, %parallel_loop3A_265], %parallel_loop3A_261 {strides = array<i32>} : memref<2x104x64xf32, #tpu.memory_space<vmem>>, vector<16xf32>,
        %parallel_loop3A_267 = arith.constant 1 : i32
        %parallel_loop3A_268 = arith.index_cast %parallel_loop3A_267 : i32 to index
        %parallel_loop3A_269 = arith.index_cast %parallel_loop3A_256 : i32 to index
        %parallel_loop3A_270 = arith.constant 16 : index
        %parallel_loop3A_271 = tpu.vector_load %arg7[%parallel_loop3A_268, %parallel_loop3A_269, %parallel_loop3A_270] {strides = array<i32>} : memref<2x104x128xf32, #tpu.memory_space<vmem>>, vector<16xf32>,
        %parallel_loop3A_272 = arith.constant 1 : i32
        %parallel_loop3A_273 = arith.index_cast %parallel_loop3A_272 : i32 to index
        %parallel_loop3A_274 = arith.index_cast %parallel_loop3A_256 : i32 to index
        %parallel_loop3A_275 = arith.constant 16 : index
        %parallel_loop3A_276 = tpu.vector_load %arg8[%parallel_loop3A_273, %parallel_loop3A_274, %parallel_loop3A_275] {strides = array<i32>} : memref<2x104x64xf32, #tpu.memory_space<vmem>>, vector<16xf32>,
        tpu.vector_store %arg8[%parallel_loop3A_273, %parallel_loop3A_274, %parallel_loop3A_275], %parallel_loop3A_271 {strides = array<i32>} : memref<2x104x64xf32, #tpu.memory_space<vmem>>, vector<16xf32>,
        %parallel_loop3A_277 = arith.constant 1 : i32
        %parallel_loop3A_278 = arith.index_cast %parallel_loop3A_277 : i32 to index
        %parallel_loop3A_279 = arith.index_cast %parallel_loop3A_256 : i32 to index
        %parallel_loop3A_280 = arith.constant 32 : index
        %parallel_loop3A_281 = tpu.vector_load %arg7[%parallel_loop3A_278, %parallel_loop3A_279, %parallel_loop3A_280] {strides = array<i32>} : memref<2x104x128xf32, #tpu.memory_space<vmem>>, vector<16xf32>,
        %parallel_loop3A_282 = arith.constant 1 : i32
        %parallel_loop3A_283 = arith.index_cast %parallel_loop3A_282 : i32 to index
        %parallel_loop3A_284 = arith.index_cast %parallel_loop3A_256 : i32 to index
        %parallel_loop3A_285 = arith.constant 32 : index
        %parallel_loop3A_286 = tpu.vector_load %arg8[%parallel_loop3A_283, %parallel_loop3A_284, %parallel_loop3A_285] {strides = array<i32>} : memref<2x104x64xf32, #tpu.memory_space<vmem>>, vector<16xf32>,
        tpu.vector_store %arg8[%parallel_loop3A_283, %parallel_loop3A_284, %parallel_loop3A_285], %parallel_loop3A_281 {strides = array<i32>} : memref<2x104x64xf32, #tpu.memory_space<vmem>>, vector<16xf32>,
        %parallel_loop3A_287 = arith.constant 1 : i32
        %parallel_loop3A_288 = arith.index_cast %parallel_loop3A_287 : i32 to index
        %parallel_loop3A_289 = arith.index_cast %parallel_loop3A_256 : i32 to index
        %parallel_loop3A_290 = arith.constant 48 : index
        %parallel_loop3A_291 = tpu.vector_load %arg7[%parallel_loop3A_288, %parallel_loop3A_289, %parallel_loop3A_290] {strides = array<i32>} : memref<2x104x128xf32, #tpu.memory_space<vmem>>, vector<16xf32>,
        %parallel_loop3A_292 = arith.constant 1 : i32
        %parallel_loop3A_293 = arith.index_cast %parallel_loop3A_292 : i32 to index
        %parallel_loop3A_294 = arith.index_cast %parallel_loop3A_256 : i32 to index
        %parallel_loop3A_295 = arith.constant 48 : index
        %parallel_loop3A_296 = tpu.vector_load %arg8[%parallel_loop3A_293, %parallel_loop3A_294, %parallel_loop3A_295] {strides = array<i32>} : memref<2x104x64xf32, #tpu.memory_space<vmem>>, vector<16xf32>,
        tpu.vector_store %arg8[%parallel_loop3A_293, %parallel_loop3A_294, %parallel_loop3A_295], %parallel_loop3A_291 {strides = array<i32>} : memref<2x104x64xf32, #tpu.memory_space<vmem>>, vector<16xf32>,
      } {sc.loop_unroll_factor = 4 : i64, sc.parallel_access}
      %jit3A_188 = arith.constant 2 : i32
      %div3A_189 = arith.divsi %add3A_165, %jit3A_188 : i32
      %sign3A_190 = arith.constant 0 : i32
      %sign3A_191 = arith.cmpi sgt, %add3A_165, %sign3A_190 : i32
      %sign3A_192 = arith.extui %sign3A_191 : i1 to i32
      %sign3A_193 = arith.constant 0 : i32
      %sign3A_194 = arith.cmpi slt, %add3A_165, %sign3A_193 : i32
      %sign3A_195 = arith.extui %sign3A_194 : i1 to i32
      %sign3A_196 = arith.subi %sign3A_192, %sign3A_195 : i32
      %sign3A_197 = arith.constant 0 : i32
      %sign3A_198 = arith.cmpi sgt, %jit3A_188, %sign3A_197 : i32
      %sign3A_199 = arith.extui %sign3A_198 : i1 to i32
      %sign3A_200 = arith.constant 0 : i32
      %sign3A_201 = arith.cmpi slt, %jit3A_188, %sign3A_200 : i32
      %sign3A_202 = arith.extui %sign3A_201 : i1 to i32
      %sign3A_203 = arith.subi %sign3A_199, %sign3A_202 : i32
      %ne3A_204 = arith.cmpi ne, %sign3A_196, %sign3A_203 : i32
      %rem3A_205 = arith.remsi %add3A_165, %jit3A_188 : i32
      %ne3A_206 = arith.constant 0 : i32
      %ne3A_207 = arith.cmpi ne, %rem3A_205, %ne3A_206 : i32
      %and3A_208 = arith.andi %ne3A_204, %ne3A_207 : i1
      %sub3A_209 = arith.constant 1 : i32
      %sub3A_210 = arith.subi %div3A_189, %sub3A_209 : i32
      %select_n3A_211 = arith.select %and3A_208, %sub3A_210, %div3A_189 : i32
      %add3A_212 = arith.addi %mul3A_2, %select_n3A_211 : i32
      %jit3A_213 = arith.constant 2 : i32
      %eq3A_214 = arith.constant 0 : i32
      %eq3A_215 = arith.cmpi eq, %jit3A_213, %eq3A_214 : i32
      %jit3A_216 = arith.constant 1 : i32
      %select_n3A_217 = arith.select %eq3A_215, %jit3A_216, %jit3A_213 : i32
      %rem3A_218 = arith.remsi %add3A_165, %select_n3A_217 : i32
      %ne3A_219 = arith.constant 0 : i32
      %ne3A_220 = arith.cmpi ne, %rem3A_218, %ne3A_219 : i32
      %lt3A_221 = arith.constant 0 : i32
      %lt3A_222 = arith.cmpi slt, %rem3A_218, %lt3A_221 : i32
      %lt3A_223 = arith.constant 0 : i32
      %lt3A_224 = arith.cmpi slt, %select_n3A_217, %lt3A_223 : i32
      %ne3A_225 = arith.xori %lt3A_222, %lt3A_224 : i1
      %and3A_226 = arith.andi %ne3A_225, %ne3A_220 : i1
      %add3A_227 = arith.addi %rem3A_218, %select_n3A_217 : i32
      %select_n3A_228 = arith.select %and3A_226, %add3A_227, %rem3A_218 : i32
      %mul3A_229 = arith.constant 96 : i32
      %mul3A_230 = arith.muli %select_n3A_228, %mul3A_229 : i32
      %dma_start3A_231 = arith.constant 1 : i32
      %dma_start3A_232 = arith.constant 1 : i32
      %dma_start3A_233 = arith.constant 0 : i32
      %dma_start3A_234 = arith.constant 0 : i32
      %dma_start3A_235 = tpu.memref_slice %arg8[%dma_start3A_231, %dma_start3A_233, %dma_start3A_234] : memref<2x104x64xf32, #tpu.memory_space<vmem>> -> memref<1x104x64xf32, #tpu.memory_space<vmem>>
      %dma_start3A_236 = tpu.memref_squeeze %dma_start3A_235 : memref<1x104x64xf32, #tpu.memory_space<vmem>> -> memref<104x64xf32, #tpu.memory_space<vmem>>
      %dma_start3A_237 = arith.constant 0 : i32
      %dma_start3A_238 = tpu.memref_slice %arg4[%add3A_212, %mul3A_230, %dma_start3A_237] : memref<4096x200x64xf32, #tpu.memory_space<hbm>> -> memref<1x104x64xf32, #tpu.memory_space<hbm>>
      %dma_start3A_239 = tpu.memref_squeeze %dma_start3A_238 : memref<1x104x64xf32, #tpu.memory_space<hbm>> -> memref<104x64xf32, #tpu.memory_space<hbm>>
      %dma_start3A_240 = tpu.memref_slice %arg10[%dma_start3A_232] : memref<2x!tpu.dma_semaphore, #tpu.memory_space<semaphore_mem>> -> memref<1x!tpu.dma_semaphore, #tpu.memory_space<semaphore_mem>>
      %dma_start3A_241 = tpu.memref_squeeze %dma_start3A_240 : memref<1x!tpu.dma_semaphore, #tpu.memory_space<semaphore_mem>> -> memref<!tpu.dma_semaphore, #tpu.memory_space<semaphore_mem>>
      %dma_start3A_242 = arith.constant 0 : i32
      %dma_start3A_243 = tpu.memref_slice %arg4[%add3A_212, %mul3A_230, %dma_start3A_242] : memref<4096x200x64xf32, #tpu.memory_space<hbm>> -> memref<1x104x64xf32, #tpu.memory_space<hbm>>
      %dma_start3A_244 = tpu.memref_squeeze %dma_start3A_243 : memref<1x104x64xf32, #tpu.memory_space<hbm>> -> memref<104x64xf32, #tpu.memory_space<hbm>>
      %dma_start3A_245 = arith.constant 0 : i32
      %dma_start3A_246 = arith.constant 0 : i32
      %dma_start3A_247 = tpu.memref_slice %arg8[%dma_start3A_231, %dma_start3A_245, %dma_start3A_246] : memref<2x104x64xf32, #tpu.memory_space<vmem>> -> memref<1x104x64xf32, #tpu.memory_space<vmem>>
      %dma_start3A_248 = tpu.memref_squeeze %dma_start3A_247 : memref<1x104x64xf32, #tpu.memory_space<vmem>> -> memref<104x64xf32, #tpu.memory_space<vmem>>
      tpu.enqueue_dma source(%dma_start3A_248 : memref<104x64xf32, #tpu.memory_space<vmem>>) target(%dma_start3A_244 : memref<104x64xf32, #tpu.memory_space<hbm>>) target_semaphore(%dma_start3A_241 : memref<!tpu.dma_semaphore, #tpu.memory_space<semaphore_mem>>)
      %add3A_249 = arith.constant 2 : i32
      %add3A_250 = arith.addi %add3A_165, %add3A_249 : i32
      %lt3A_251 = arith.constant 256 : i32
      %lt3A_252 = arith.cmpi slt, %add3A_250, %lt3A_251 : i32
      %convert_element_type3A_253 = arith.extui %lt3A_252 : i1 to i32
      %cond3A_254 = arith.constant 0 : i32
      %cond3A_255 = arith.cmpi ne, %convert_element_type3A_253, %cond3A_254 : i32
      scf.if %cond3A_255 {
        %add3A_256 = arith.constant 2 : i32
        %add3A_257 = arith.addi %add3A_165, %add3A_256 : i32
        %dma_start3A_258 = arith.constant 1 : i32
        %dma_start3A_259 = arith.constant 1 : i32
        %dma_start3A_260 = arith.constant 0 : i32
        %dma_start3A_261 = arith.constant 0 : i32
        %dma_start3A_262 = tpu.memref_slice %arg7[%dma_start3A_258, %dma_start3A_260, %dma_start3A_261] : memref<2x104x128xf32, #tpu.memory_space<vmem>> -> memref<1x104x128xf32, #tpu.memory_space<vmem>>
        %dma_start3A_263 = tpu.memref_squeeze %dma_start3A_262 : memref<1x104x128xf32, #tpu.memory_space<vmem>> -> memref<104x128xf32, #tpu.memory_space<vmem>>
        %dma_start3A_264 = arith.constant 0 : i32
        %dma_start3A_265 = tpu.memref_slice %arg6[%add3A_257, %dma_start3A_264] : memref<256x104xi32, #tpu.memory_space<vmem>> -> memref<1x104xi32, #tpu.memory_space<vmem>>
        %dma_start3A_266 = tpu.memref_squeeze %dma_start3A_265 : memref<1x104xi32, #tpu.memory_space<vmem>> -> memref<104xi32, #tpu.memory_space<vmem>>
        %dma_start3A_267 = arith.constant 0 : i32
        %dma_start3A_268 = arith.constant 0 : i32
        %dma_start3A_269 = tpu.memref_slice %arg3[%dma_start3A_267, %dma_start3A_268] : memref<100000x128xf32, #tpu.memory_space<hbm>> -> memref<100000x128xf32, #tpu.memory_space<hbm>>
        %dma_start3A_270 = tpu.memref_slice %arg9[%dma_start3A_259] : memref<2x!tpu.dma_semaphore, #tpu.memory_space<semaphore_mem>> -> memref<1x!tpu.dma_semaphore, #tpu.memory_space<semaphore_mem>>
        %dma_start3A_271 = tpu.memref_squeeze %dma_start3A_270 : memref<1x!tpu.dma_semaphore, #tpu.memory_space<semaphore_mem>> -> memref<!tpu.dma_semaphore, #tpu.memory_space<semaphore_mem>>
        tpu.enqueue_indirect_dma source(%dma_start3A_269 : memref<100000x128xf32, #tpu.memory_space<hbm>>) target(%dma_start3A_263 : memref<104x128xf32, #tpu.memory_space<vmem>>) offsets(%dma_start3A_266 : memref<104xi32, #tpu.memory_space<vmem>>) semaphore(%dma_start3A_271 : memref<!tpu.dma_semaphore, #tpu.memory_space<semaphore_mem>>)
      } else {
      }
    }
    %scan3A_38 = arith.constant 128 : i32
    %add3A_39 = arith.constant 127 : i32
    %add3A_40 = arith.addi %mul3A_2, %add3A_39 : i32
    %dma_wait3A = arith.constant 0 : i32
    %dma_wait3A_41 = arith.constant 0 : i32
    %dma_wait3A_42 = arith.constant 0 : i32
    %dma_wait3A_43 = arith.constant 0 : i32
    %dma_wait3A_44 = tpu.memref_slice %arg8[%dma_wait3A, %dma_wait3A_42, %dma_wait3A_43] : memref<2x104x64xf32, #tpu.memory_space<vmem>> -> memref<1x104x64xf32, #tpu.memory_space<vmem>>
    %dma_wait3A_45 = tpu.memref_squeeze %dma_wait3A_44 : memref<1x104x64xf32, #tpu.memory_space<vmem>> -> memref<104x64xf32, #tpu.memory_space<vmem>>
    %dma_wait3A_46 = arith.constant 0 : i32
    %dma_wait3A_47 = arith.constant 0 : i32
    %dma_wait3A_48 = tpu.memref_slice %arg4[%add3A_40, %dma_wait3A_46, %dma_wait3A_47] : memref<4096x200x64xf32, #tpu.memory_space<hbm>> -> memref<1x104x64xf32, #tpu.memory_space<hbm>>
    %dma_wait3A_49 = tpu.memref_squeeze %dma_wait3A_48 : memref<1x104x64xf32, #tpu.memory_space<hbm>> -> memref<104x64xf32, #tpu.memory_space<hbm>>
    %dma_wait3A_50 = tpu.memref_slice %arg10[%dma_wait3A_41] : memref<2x!tpu.dma_semaphore, #tpu.memory_space<semaphore_mem>> -> memref<1x!tpu.dma_semaphore, #tpu.memory_space<semaphore_mem>>
    %dma_wait3A_51 = tpu.memref_squeeze %dma_wait3A_50 : memref<1x!tpu.dma_semaphore, #tpu.memory_space<semaphore_mem>> -> memref<!tpu.dma_semaphore, #tpu.memory_space<semaphore_mem>>
    %dma_wait3A_52 = arith.constant 0 : i32
    %dma_wait3A_53 = arith.constant 0 : i32
    %dma_wait3A_54 = tpu.memref_slice %arg4[%add3A_40, %dma_wait3A_52, %dma_wait3A_53] : memref<4096x200x64xf32, #tpu.memory_space<hbm>> -> memref<1x104x64xf32, #tpu.memory_space<hbm>>
    %dma_wait3A_55 = tpu.memref_squeeze %dma_wait3A_54 : memref<1x104x64xf32, #tpu.memory_space<hbm>> -> memref<104x64xf32, #tpu.memory_space<hbm>>
    %dma_wait3A_56 = arith.constant 0 : i32
    %dma_wait3A_57 = arith.constant 0 : i32
    %dma_wait3A_58 = tpu.memref_slice %arg8[%dma_wait3A, %dma_wait3A_56, %dma_wait3A_57] : memref<2x104x64xf32, #tpu.memory_space<vmem>> -> memref<1x104x64xf32, #tpu.memory_space<vmem>>
    %dma_wait3A_59 = tpu.memref_squeeze %dma_wait3A_58 : memref<1x104x64xf32, #tpu.memory_space<vmem>> -> memref<104x64xf32, #tpu.memory_space<vmem>>
    tpu.wait_dma2 semaphore(%dma_wait3A_51 : memref<!tpu.dma_semaphore, #tpu.memory_space<semaphore_mem>>) src(%dma_wait3A_59 : memref<104x64xf32, #tpu.memory_space<vmem>>) dst(%dma_wait3A_55 : memref<104x64xf32, #tpu.memory_space<hbm>>)
    %add3A_60 = arith.constant 127 : i32
    %add3A_61 = arith.addi %mul3A_2, %add3A_60 : i32
    %dma_wait3A_62 = arith.constant 1 : i32
    %dma_wait3A_63 = arith.constant 1 : i32
    %dma_wait3A_64 = arith.constant 0 : i32
    %dma_wait3A_65 = arith.constant 0 : i32
    %dma_wait3A_66 = tpu.memref_slice %arg8[%dma_wait3A_62, %dma_wait3A_64, %dma_wait3A_65] : memref<2x104x64xf32, #tpu.memory_space<vmem>> -> memref<1x104x64xf32, #tpu.memory_space<vmem>>
    %dma_wait3A_67 = tpu.memref_squeeze %dma_wait3A_66 : memref<1x104x64xf32, #tpu.memory_space<vmem>> -> memref<104x64xf32, #tpu.memory_space<vmem>>
    %dma_wait3A_68 = arith.constant 96 : i32
    %dma_wait3A_69 = arith.constant 0 : i32
    %dma_wait3A_70 = tpu.memref_slice %arg4[%add3A_61, %dma_wait3A_68, %dma_wait3A_69] : memref<4096x200x64xf32, #tpu.memory_space<hbm>> -> memref<1x104x64xf32, #tpu.memory_space<hbm>>
    %dma_wait3A_71 = tpu.memref_squeeze %dma_wait3A_70 : memref<1x104x64xf32, #tpu.memory_space<hbm>> -> memref<104x64xf32, #tpu.memory_space<hbm>>
    %dma_wait3A_72 = tpu.memref_slice %arg10[%dma_wait3A_63] : memref<2x!tpu.dma_semaphore, #tpu.memory_space<semaphore_mem>> -> memref<1x!tpu.dma_semaphore, #tpu.memory_space<semaphore_mem>>
    %dma_wait3A_73 = tpu.memref_squeeze %dma_wait3A_72 : memref<1x!tpu.dma_semaphore, #tpu.memory_space<semaphore_mem>> -> memref<!tpu.dma_semaphore, #tpu.memory_space<semaphore_mem>>
    %dma_wait3A_74 = arith.constant 96 : i32
    %dma_wait3A_75 = arith.constant 0 : i32
    %dma_wait3A_76 = tpu.memref_slice %arg4[%add3A_61, %dma_wait3A_74, %dma_wait3A_75] : memref<4096x200x64xf32, #tpu.memory_space<hbm>> -> memref<1x104x64xf32, #tpu.memory_space<hbm>>
    %dma_wait3A_77 = tpu.memref_squeeze %dma_wait3A_76 : memref<1x104x64xf32, #tpu.memory_space<hbm>> -> memref<104x64xf32, #tpu.memory_space<hbm>>
    %dma_wait3A_78 = arith.constant 0 : i32
    %dma_wait3A_79 = arith.constant 0 : i32
    %dma_wait3A_80 = tpu.memref_slice %arg8[%dma_wait3A_62, %dma_wait3A_78, %dma_wait3A_79] : memref<2x104x64xf32, #tpu.memory_space<vmem>> -> memref<1x104x64xf32, #tpu.memory_space<vmem>>
    %dma_wait3A_81 = tpu.memref_squeeze %dma_wait3A_80 : memref<1x104x64xf32, #tpu.memory_space<vmem>> -> memref<104x64xf32, #tpu.memory_space<vmem>>
    tpu.wait_dma2 semaphore(%dma_wait3A_73 : memref<!tpu.dma_semaphore, #tpu.memory_space<semaphore_mem>>) src(%dma_wait3A_81 : memref<104x64xf32, #tpu.memory_space<vmem>>) dst(%dma_wait3A_77 : memref<104x64xf32, #tpu.memory_space<hbm>>)
    return
  }
}

</mosaic_0001>

<sc_bundles>
// kernel: kernel.3.cloned.1.call-start
scs
__scs_entry_jumppad:
0x0: {  	(pc) =	sbr.rel $0x88, $3  }
0x1: {  	(tag) =	ssettag $0x0;
	lr =	simm.s32 $0x1  }
0x2: {  	[smem:$0x3F9F] =	sst lr;
	_ =	strace $0xD0000000  }
0x3: {  	_ = 	snop  }
0x4: {  	_ = 	snop  }
0x5: {  	_ = 	snop  }
0x6: {  	_ = 	snop  }
0x7: {  	_ = 	snop  }
__scs_overlays_trampoline_lowered:
0x8: {  	[smem:$0x3FAE] =	sst s0  }
0x9: {  	[smem:$0x3FAF] =	sst s1  }
0xa: {  	[smem:$0x3FB0] =	sst s2  }
0xb: {  	[smem:$0x3FB1] =	sst s3  }
0xc: {  	[smem:$0x3FB2] =	sst s4  }
0xd: {  	[smem:$0x3FB3] =	sst s5  }
0xe: {  	[smem:$0x3FB4] =	sst s6  }
0xf: {  	[smem:$0x3FB5] =	sst s7  }
0x10: {  	[smem:$0x3FB6] =	sst s8  }
0x11: {  	[smem:$0x3FB7] =	sst s9;
	s0 =	simm.s32 @!p0 $0x0  }
0x12: {  	s1 =	sld [smem:$0x3F9D];
	s0 =	simm.s32 @p0 $0x1  }
0x13: {  	[smem:$0x3FB8] =	sst s0;
	s0 =	simm.s32 @!p1 $0x0  }
0x14: {  	s2 =	sld [smem:$0x3F9C];
	s0 =	simm.s32 @p1 $0x1  }
0x15: {  	[smem:$0x3FB9] =	sst s0;
	s0 =	simm.s32 @!p2 $0x0  }
0x16: {  	s3 =	sld [smem:$0x3FDB];
	s0 =	simm.s32 @p2 $0x1  }
0x17: {  	s4 =	simm.s32 $0x1BF5;
	[smem:$0x3FBB] =	sst s0  }
0x18: {  	s0 =	sld [smem:$0x3F9E];
	_ =	swait.ge [sflag:s4], $0x0  }
0x19: {  	s7 =	sld [smem:$0x3F9F]  }
0x1a: {  	s8 =	sadd.s32 $0xFFFFE003, lr  }
0x1b: {  	s9 =	sadd.s32 $0xFFFFFEF7, lr;
	s5 =	simm.s32 $0xFFFFFFFF;
	p2 =	slt.u32 s8, $0xFFFFF086  }
0x1c: {  	p1 =	slt.u32 s9, $0xF7A;
	s5 =	simm.s32 @!p2 $0x0  }
0x1d: {  	s5 =	simm.s32 @p1 $0x1;
	p0 =	seq.s32 s7, s2  }
0x1e: {  	s7 =	smul.u32 @!p0 $0xF7A, s2;
	p2 =	seq.s32 @!p0 s5, $0x0  }
0x1f: {  	s9 =	smul.u32 $0xF7A, s1;
	s8 =	simm.s32 @!p0 $0x1BF5;
	p2 =	por !p2, p0  }
0x20: {  	[sflag:s8] =	ssyncset.s32 @!p0 $0xFFFFF086;
	s6 =	sadd.s32 @!p0 s3, s7;
	s7 =	simm.s32 @!p0 $0x108  }
0x21: {  	s3 =	sadd.s32 s3, s9;
	s6 =	sadd.s32 @!p0 $0x88, s6;
	s7 =	simm.s32 @p2 $0x1082  }
0x22: {  	[simem:s7], [sflag:s8] =	dma.local @!p0 [hbm:s6], $0xF7A  }
0x23: {  	s9 =	sor.u32 $0xD0000000, s2;
	s6 =	simm.s32 $0x108;
	_ =	swait.ge @!p0 [sflag:s8], $0x0  }
0x24: {  	s3 =	sadd.s32 $0x88, s3;
	s6 =	simm.s32 @!p1 $0x1082;
	[sflag:s4] =	ssyncset.s32 $0xFFFFF086  }
0x25: {  	[simem:s6], [sflag:s4] =	dma.local [hbm:s3], $0xF7A  }
0x26: {  	[smem:$0x3F9F] =	sst s1;
	(tag) =	ssettag s2;
	_ =	strace s9  }
0x27: {  	s1 =	sld [smem:$0x3FAF]  }
0x28: {  	s2 =	sld [smem:$0x3FB0]  }
0x29: {  	s4 =	sld [smem:$0x3FB2]  }
0x2a: {  	p0 =	seq.s32 s5, $0x0;
	s5 =	sld [smem:$0x3FB3]  }
0x2b: {  	s6 =	sld [smem:$0x3FB4]  }
0x2c: {  	s7 =	sld [smem:$0x3FB5]  }
0x2d: {  	s3 =	simm.s32 $0x108;
	s8 =	sld [smem:$0x3FB6]  }
0x2e: {  	s3 =	simm.s32 @!p0 $0x1082;
	s9 =	sld [smem:$0x3FB7]  }
0x2f: {  	lr =	sadd.s32 s0, s3;
	s0 =	sld [smem:$0x3FAE]  }
0x30: {  	s3 =	sld [smem:$0x3FB1]  }
0x31: {  	[smem:$0x3FBA] =	sst s10  }
0x32: {  	s10 =	sld [smem:$0x3FB8];
	_ =	sdelay $0x3  }
0x33: {  	p0 =	seq.s32 s10, $0x1;
	s10 =	sld [smem:$0x3FBA];
	_ =	sdelay $0x3  }
0x34: {  	[smem:$0x3FBA] =	sst s10  }
0x35: {  	s10 =	sld [smem:$0x3FB9];
	_ =	sdelay $0x3  }
0x36: {  	p1 =	seq.s32 s10, $0x1;
	s10 =	sld [smem:$0x3FBA];
	_ =	sdelay $0x3  }
0x37: {  	[smem:$0x3FBA] =	sst s10  }
0x38: {  	s10 =	sld [smem:$0x3FBB]  }
0x39: {  	_ = 	snop;
	(pc) =	sbr.ind lr, $3  }
0x3a: {  	_ = 	snop  }
0x3b: {  	_ = 	snop  }
0x3c: {  	p2 =	seq.s32 s10, $0x1;
	s10 =	sld [smem:$0x3FBA]  }
0x3d: {  	_ =	shalt  }
0x3e: {  	_ =	shalt  }
0x3f: {  	_ =	shalt  }
0x40: {  	_ =	shalt  }
0x41: {  	_ =	shalt  }
0x42: {  	_ =	shalt  }
0x43: {  	_ =	shalt  }
0x44: {  	_ =	shalt  }
0x45: {  	_ =	shalt  }
0x46: {  	_ =	shalt  }
0x47: {  	_ =	shalt  }
0x48: {  	_ =	shalt  }
0x49: {  	_ =	shalt  }
0x4a: {  	_ =	shalt  }
0x4b: {  	_ =	shalt  }
0x4c: {  	_ =	shalt  }
0x4d: {  	_ =	shalt  }
0x4e: {  	_ =	shalt  }
0x4f: {  	_ =	shalt  }
0x50: {  	_ =	shalt  }
0x51: {  	_ =	shalt  }
0x52: {  	_ =	shalt  }
0x53: {  	_ =	shalt  }
0x54: {  	_ =	shalt  }
0x55: {  	_ =	shalt  }
0x56: {  	_ =	shalt  }
0x57: {  	_ =	shalt  }
0x58: {  	_ =	shalt  }
0x59: {  	_ =	shalt  }
0x5a: {  	_ =	shalt  }
0x5b: {  	_ =	shalt  }
0x5c: {  	_ =	shalt  }
0x5d: {  	_ =	shalt  }
0x5e: {  	_ =	shalt  }
0x5f: {  	_ =	shalt  }
0x60: {  	_ =	shalt  }
0x61: {  	_ =	shalt  }
0x62: {  	_ =	shalt  }
0x63: {  	_ =	shalt  }
0x64: {  	_ =	shalt  }
0x65: {  	_ =	shalt  }
0x66: {  	_ =	shalt  }
0x67: {  	_ =	shalt  }
0x68: {  	_ =	shalt  }
0x69: {  	_ =	shalt  }
0x6a: {  	_ =	shalt  }
0x6b: {  	_ =	shalt  }
0x6c: {  	_ =	shalt  }
0x6d: {  	_ =	shalt  }
0x6e: {  	_ =	shalt  }
0x6f: {  	_ =	shalt  }
0x70: {  	_ =	shalt  }
0x71: {  	_ =	shalt  }
0x72: {  	_ =	shalt  }
0x73: {  	_ =	shalt  }
0x74: {  	_ =	shalt  }
0x75: {  	_ =	shalt  }
0x76: {  	_ =	shalt  }
0x77: {  	_ =	shalt  }
0x78: {  	_ =	shalt  }
0x79: {  	_ =	shalt  }
0x7a: {  	_ =	shalt  }
0x7b: {  	_ =	shalt  }
0x7c: {  	_ =	shalt  }
0x7d: {  	_ =	shalt  }
0x7e: {  	_ =	shalt  }
0x7f: {  	_ =	shalt  }
0x80: {  	_ =	shalt  }
0x81: {  	_ =	shalt  }
0x82: {  	_ =	shalt  }
0x83: {  	_ =	shalt  }
0x84: {  	_ =	shalt  }
0x85: {  	_ =	shalt  }
0x86: {  	_ =	shalt  }
0x87: {  	_ =	shalt  }
.Lfunc_end0:
.L_simem_size_0:
called_computation.1_lowered:
.L_overlay_start_0:
0x88: {  	s2 =	sld [smem:$0x3FD9]  }
0x89: {  	s3 =	sld [smem:$0x3FFE];
	_ =	sdelay $0x1  }
0x8a: {  	s1 =	srdreg.scid  }
0x8b: {  	s0 =	sand.u32 $0x1, s1  }
0x8c: {  	s17 =	sshll.u32 s0, $0xA;
	s2 =	sadd.s32 s3, s2  }
0x8d: {  	s2 =	sadd.s32 s2, s17  }
0x8e: {  	[smem:$0x3FC6] =	sst s2  }
0x8f: {  	_ = 	snop  }
0x90: {  	s2 =	sld [smem:$0x3FC9];
	(tm) =	ssettm $0x1  }
0x91: {  	s18 =	sld [smem:$0x3FFB];
	_ =	sdelay $0x3  }
0x92: {  	_ =	strace s18  }
0x93: {  	s3 =	sld [smem:$0x3FFC];
	_ =	sdelay $0x3  }
0x94: {  	_ =	strace s3  }
0x95: {  	s3 =	sld [smem:$0x3FFD];
	_ =	sdelay $0x3  }
0x96: {  	_ =	strace s3  }
0x97: {  	_ =	strace $0x8FFFFFFF  }
0x98: {  	s19 =	sld [smem:$0x3FDB];
	_ =	sdelay $0x1  }
0x99: {  	s4 =	simm.s32 $_scs_section_size  }
0x9a: {  	s5 =	simm.s32 $_size__tile_overlayer_lowered;
	s6 =	simm.s32 $_tile_overlayer_lowered  }
0x9b: {  	s22 =	simm.s32 $0x1BFF;
	s21 =	sshll.u32 s6, $0x1;
	s3 =	sadd.s32 s4, s19  }
0x9c: {  	s7 =	simm.s32 $0x0;
	s20 =	sshll.u32 s5, $0x1;
	s5 =	sadd.s32 s21, s3  }
0x9d: {  	[timem:s7], [sflag:s22] =	dma.local [hbm:s5], s20  }
0x9e: {  	_ =	swait.ge [sflag:s22], s20  }
0x9f: {  	s4 =	ssub.s32 $0x0, s20;
	[sflag:s22] =	ssyncset.done $0x0  }
0xa0: {  	[sflag:s22] =	ssyncadd.s32 s4;
	_ =	sdelay $0x1  }
0xa1: {  	s23 =	simm.s32 $0x1B8B  }
0xa2: {  	_ =	swait.ge [sflag:s23], $0x1  }
0xa3: {  	[sflag:s23] =	ssyncset.done $0x0  }
0xa4: {  	s25 =	simm.s32 $0x1B8E;
	s24 =	sld [smem:$0x3FFE];
	[sflag:s23] =	ssyncadd.s32 $0xFFFFFFFF  }
0xa5: {  	s26 =	simm.s32 $execute0_lowered;
	[smem:$0x3FD2] =	sst s25  }
0xa6: {  	s5 =	sshll.u32 s26, $0x1;
	_ =	strace $0x80000046;
	[dreg:$0x1] =	wrdreg $0xFFFFFFFF  }
0xa7: {  	s28 =	simm.s32 $_size_execute0_lowered;
	s3 =	sadd.s32 s3, s5;
	[dreg:$0x0] =	wrdreg $0x0  }
0xa8: {  	s5 =	sshll.u32 s28, $0x1;
	[dreg:$0x2] =	wrdreg s3  }
0xa9: {  	[dreg:$0x3] =	wrdreg s5  }
0xaa: {  	[dreg:$0x4] =	wrdreg $0xC0  }
0xab: {  	_ =	task [dreg:s7], $0x5FFFF  }
0xac: {  	[dreg:$0x1] =	wrdreg $0xFFFFFFFF  }
0xad: {  	[dreg:$0x0] =	wrdreg $0x60  }
0xae: {  	[dreg:$0x2] =	wrdreg s2  }
0xaf: {  	[dreg:$0x3] =	wrdreg s24  }
0xb0: {  	[dreg:$0x4] =	wrdreg $0x9  }
0xb1: {  	_ =	task.clear_ibuf [dreg:s7], $0x5FFFF;
	_ =	strace $0x90000046  }
0xb2: {  	s29 =	simm.s32 $0x9;
	_ =	strace $0x80000048  }
0xb3: {  	_ =	swait.ge [sflag:s29], $0x1  }
0xb4: {  	[sflag:s29] =	ssyncadd.s32 $0xFFFFFFFF  }
0xb5: {  	_ =	strace $0x90000048  }
0xb6: {  	_ =	sfence  }
0xb7: {  	s30 =	sld [smem:$0x0];
	_ =	sdelay $0x2  }
0xb8: {  	s31 =	sshll.u32 s1, $0xD;
	s1 =	sshrl.u32 s1, $0x2  }
0xb9: {  	s3 =	sand.u32 $0x4000, s31;
	s1 =	sadd.s32 s1, s30  }
0xba: {  	s0 =	sor.u32 s3, s0;
	s1 =	sshll.u32 s1, $0x11  }
0xbb: {  	s0 =	sor.u32 s1, s0  }
0xbc: {  	s0 =	sadd.s32 $0x8F2B, s0  }
0xbd: {  	[sflag:s0] =	ssyncadd.remote.s32 $0x1  }
0xbe: {  	_ =	sfence.sel $0xFFFF  }
0xbf: {  	[dreg:$0x0] =	wrdreg $0xFFFFFFFF;
	(pc) =	sbr.abs _section_cstart, $3  }
0xc0: {  	[dreg:$0x1] =	wrdreg $0xFFFFFFFF  }
0xc1: {  	_ =	task.clear_ibuf [dreg:s7], $0x2FFFF;
	_ =	strace $0x9FFFFFFF  }
0xc2: {  	(tm) =	ssettm $0x7FFFFFFF  }
0xc3: {  	_ =	shalt  }
tec
execute0_lowered:
.L_overlay_start_1:
0x0: {  	(tag) =	ssettag $0x1  }
0x1: {  	s0 =	rddreg [dreg:$0x0]  }
0x2: {  	s2 =	rddreg [dreg:$0x1];
	s1 =	simm.s32 $0x0  }
0x3: {  	s3 =	srdreg.scid;
	s6 =	stileid.u32;
	s10 =	simm.s32 $0x5  }
0x4: {  	s11 =	simm.s32 $0x6400;
	s12 =	simm.s32 $0x68;
	s13 =	simm.s32 $0xE400  }
0x5: {  	v0 =	vlaneseq.u32;
	s15 =	simm.s32 $0x11800;
	s16 =	simm.s32 $0x1;
	s17 =	simm.s32 $0x14C00  }
0x6: {  	s18 =	simm.s32 $0x2;
	s19 =	simm.s32 $0x4;
	s3 =	sand.u32 $0x1, s3;
	v0 =	vmul.u32 $0x100, v0  }
0x7: {  	vm0 =	vmxor vm0, vm0;
	s20 =	simm.s32 $0x18000;
	s6 =	sshll.u32 s6, $0x8;
	s4 =	ssub.s32 $0x2, s3  }
.Ltmp0:
0x8: {  	s7 =	sshll.u32 s3, $0x7;
	s5 =	sshrl.u32 s4, $0x1;
	v1 =	vor.u32 $0x80, v0;
	v2 =	vor.u32 $0x1000, v0;
	v3 =	vor.u32 $0x1080, v0;
	(pc) =	sbr.rel .LBB2_1-.Ltmp0, $4  }
0x9: {  	s21 =	simm.s32 $0x3;
	v4 =	vor.u32 $0x2000, v0;
	v5 =	vor.u32 $0x2080, v0;
	v6 =	vor.u32 $0x3000, v0;
	s8 =	ssub.s32 s4, s5;
	s4 =	sor.u32 s7, s6  }
0xa: {  	s22 =	simm.s32 $0x0;
	[smem:$0x7FF] =	sst s1;
	v7 =	vor.u32 $0x3080, v0;
	v8 =	vor.u32 $0x4000, v0;
	v9 =	vor.u32 $0x4080, v0;
	s0 =	sadd.s32 s0, s4  }
0xb: {  	_ =	strace $0x80000047;
	v10 =	vor.u32 $0x5000, v0;
	v11 =	vor.u32 $0x5080, v0;
	v12 =	vor.u32 $0x6000, v0;
	s31 =	smax.u32 s8, $0x1;
	[dreg:$0x3] =	wrdreg s0  }
0xc: {  	s3 =	sadd.s32 $0x800, s2;
	v13 =	vor.u32 $0x6080, v0;
	v14 =	vor.u32 $0x7000, v0;
	v15 =	vor.u32 $0x7080, v0;
	s5 =	sadd.s32 $0x187200, s2;
	[dreg:$0x4] =	wrdreg s31  }
.LBB2_14:
0xd: {  	_ =	swait.ge [sflag:s21], $0x3400  }
0xe: {  	[sflag:s21] =	ssyncset.done $0x0  }
0xf: {  	[sflag:s21] =	ssyncadd.s32 $0xFFFFCC00  }
0x10: {  	_ =	swait.ge [sflag:s19], $0x3400  }
0x11: {  	s22 =	sadd.s32 $0x1, s22;
	s0 =	rddreg [dreg:$0x4]  }
0x12: {  	p0 =	sne.s32 s22, s0  }
.Ltmp1:
0x13: {  	_ = 	snop;
	(pc) =	sbr.rel @!p0 .LBB2_15-.Ltmp1, $3  }
0x14: {  	_ =	sdelay $0x1  }
0x15: {  	[sflag:s19] =	ssyncset.done $0x0  }
0x16: {  	[sflag:s19] =	ssyncadd.s32 $0xFFFFCC00  }
.LBB2_1:
0x17: {  	s0 =	rddreg [dreg:$0x3]  }
0x18: {  	s2 =	simm.s32 $0x400;
	s6 =	simm.s32 $0x8000;
	s30 =	simm.s32 $0x100  }
0x19: {  	[tilespmem:s1], [sflag:$0x5] =	stream.strided.gather [hbm4b:s0+s2], $0x6400, s6, s2, $0x38;
	[tilespmem:$0x1B400] =	vst v63  }
0x1a: {  	s25 =	simm.s32 $0x2;
	p0 =	por $0x1, $0x1;
	_ =	swait.ge [sflag:s10], $0x6400  }
0x1b: {  	s26 =	smax.u32 s1, $0x5E;
	vm4 =	vmmov vm0;
	s31 =	smin.u32 s25, $0x67;
	[sflag:s10] =	ssyncset.done $0x0  }
0x1c: {  	vm4 =	vmneg @p0 vm4;
	s6 =	simm.s32 $0x1;
	s2 =	sadd.s32 $0xFFFFFFA2, s26;
	[sflag:s10] =	ssyncadd.s32 $0xFFFF9C00  }
0x1d: {  	vm5 =	vmmov vm0;
	s8 =	smax.u32 s1, $0x5D;
	p0 =	por $0x0, $0x0;
	s0 =	smin.u32 s6, $0x67;
	v17 =	vmov s2;
	v18 =	vor.u32 s31, v0;
	v16 =	vld [tilespmem:s30+$0x0]  }
0x1e: {  	s7 =	simm.s32 $0x3;
	s8 =	sadd.s32 $0xFFFFFFA3, s8;
	vm5 =	vmneg @p0 vm5;
	v19 =	vor.u32 s0, v0;
	v17 =	vand.u32 $0xFE, v17;
	v20 =	vld [tilespmem:s30+$0xFFFFFF80]  }
0x1f: {  	s9 =	smax.u32 s1, $0x60;
	s2 =	smin.u32 s7, $0x67;
	v21 =	vmov s8;
	v22 =	vadd.s32 v1, v17  }
0x20: {  	s14 =	simm.s32 $0x0;
	s23 =	smax.u32 s1, $0x5F;
	s9 =	sadd.s32 $0xFFFFFFA0, s9;
	v21 =	vand.u32 $0xFF, v21;
	v24 =	vor.u32 s2, v0;
	v23 =	vld [tilespmem:s30+$0x80]  }
0x21: {  	vm2 =	vmmov vm0;
	s24 =	sadd.s32 $0xFFFFFFA1, s23;
	s8 =	smin.u32 s14, $0x67;
	v25 =	vmov s9;
	v27 =	vadd.s32 v1, v21  }
0x22: {  	p0 =	por $0x0, $0x0;
	v26 =	vmov s24;
	v28 =	vor.u32 s8, v0;
	v25 =	vand.u32 $0xFC, v25;
	v29 =	vld [tilespmem:s30+$0xFFFFFF00];
	[tilespmem:v18+s11+$0x0] =	vst.idx.msk vm4, v16  }
0x23: {  	vm2 =	vmneg @p0 vm2;
	v26 =	vand.u32 $0xFD, v26;
	v18 =	vadd.s32 v1, v25;
	[tilespmem:v19+s11+$0x0] =	vst.idx.msk vm4, v20  }
0x24: {  	v19 =	vadd.s32 v1, v26;
	[tilespmem:v22+s11+$0x0] =	vst.idx.msk vm5, v16  }
0x25: {  	[tilespmem:v24+s11+$0x0] =	vst.idx.msk vm4, v23;
	v22 =	vor.u32 s31, v2;
	v16 =	vld [tilespmem:s30+$0x10]  }
0x26: {  	[tilespmem:v27+s11+$0x0] =	vst.idx.msk vm5, v23;
	v23 =	vadd.s32 v3, v17  }
0x27: {  	[tilespmem:v28+s11+$0x0] =	vst.idx.msk vm4, v29;
	v27 =	vor.u32 s2, v2;
	v24 =	vld [tilespmem:s30+$0x90]  }
0x28: {  	[tilespmem:v18+s11+$0x0] =	vst.idx.msk vm5, v29;
	v18 =	vadd.s32 v3, v21  }
0x29: {  	[tilespmem:v19+s11+$0x0] =	vst.idx.msk vm2, v20;
	v20 =	vor.u32 s8, v2;
	v19 =	vld [tilespmem:s30+$0xFFFFFF10]  }
0x2a: {  	vm1 =	vmmov vm4;
	[tilespmem:v22+s11+$0x0] =	vst.idx.msk vm4, v16;
	v22 =	vadd.s32 v3, v25  }
0x2b: {  	[tilespmem:v23+s11+$0x0] =	vst.idx.msk vm5, v16;
	v16 =	vld [tilespmem:s30+$0xFFFFFF90];
	v23 =	vor.u32 s0, v2  }
0x2c: {  	[tilespmem:v27+s11+$0x0] =	vst.idx.msk vm4, v24;
	v27 =	vadd.s32 v3, v26  }
0x2d: {  	vm3 =	vmmov vm5;
	[tilespmem:v18+s11+$0x0] =	vst.idx.msk vm5, v24;
	v24 =	vld [tilespmem:s30+$0x20];
	v18 =	vor.u32 s31, v4  }
0x2e: {  	vm7 =	vmmov vm0;
	s26 =	simm.s32 $0x5;
	p0 =	por $0x1, $0x1;
	v32 =	vadd.s32 v5, v17;
	[tilespmem:v20+s11+$0x0] =	vst.idx.msk vm4, v19  }
0x2f: {  	s23 =	simm.s32 $0x300;
	s24 =	smin.u32 s26, $0x67;
	vm7 =	vmneg @p0 vm7;
	v20 =	vor.u32 s2, v4;
	[tilespmem:v22+s11+$0x0] =	vst.idx.msk vm5, v19;
	v19 =	vld [tilespmem:s30+$0xA0]  }
0x30: {  	v30 =	vor.u32 s24, v0;
	v31 =	vld [tilespmem:s23+$0xFFFFFF80];
	[tilespmem:v23+s11+$0x0] =	vst.idx.msk vm1, v16  }
0x31: {  	s25 =	simm.s32 $0x6;
	v28 =	vor.u32 s8, v4;
	v22 =	vld [tilespmem:s30+$0xFFFFFF20];
	[tilespmem:v27+s11+$0x0] =	vst.idx.msk vm2, v16  }
0x32: {  	s25 =	smin.u32 s25, $0x67;
	s6 =	simm.s32 $0x4;
	v23 =	vadd.s32 v5, v25;
	[tilespmem:v18+s11+$0x0] =	vst.idx.msk vm1, v24  }
0x33: {  	s28 =	smax.u32 s6, $0x5F;
	v29 =	vor.u32 s25, v0;
	v27 =	vld [tilespmem:s23+$0x0];
	[tilespmem:v32+s11+$0x0] =	vst.idx.msk vm3, v24  }
0x34: {  	v33 =	vor.u32 s0, v4;
	s28 =	sadd.s32 $0xFFFFFFA1, s28;
	vm4 =	vmmov vm1;
	[tilespmem:v20+s11+$0x0] =	vst.idx.msk vm1, v19;
	v20 =	vld [tilespmem:s30+$0xFFFFFFA0]  }
0x35: {  	vm6 =	vmmov vm0;
	s14 =	smax.u32 s6, $0x5E;
	p0 =	por $0x0, $0x0;
	[tilespmem:v30+s11+$0x0] =	vst.idx.msk vm7, v31;
	v30 =	vor.u32 s31, v6;
	v16 =	vmov s28;
	v24 =	vld [tilespmem:s30+$0x30]  }
0x36: {  	s29 =	simm.s32 $0x4;
	s14 =	sadd.s32 $0xFFFFFFA2, s14;
	vm6 =	vmneg @p0 vm6;
	v16 =	vand.u32 $0xFD, v16;
	[tilespmem:v28+s11+$0x0] =	vst.idx.msk vm1, v22;
	v28 =	vadd.s32 v5, v21  }
0x37: {  	p1 =	por $0x0, $0x0;
	vm8 =	vmmov vm0;
	s26 =	smin.u32 s29, $0x67;
	v18 =	vmov s14;
	[tilespmem:v23+s11+$0x0] =	vst.idx.msk vm3, v22;
	v23 =	vadd.s32 v1, v16  }
0x38: {  	vm8 =	vmneg @p1 vm8;
	v34 =	vor.u32 s26, v0;
	v18 =	vand.u32 $0xFE, v18;
	v22 =	vld [tilespmem:s23+$0xFFFFFF00];
	[tilespmem:v29+s11+$0x0] =	vst.idx.msk vm7, v27  }
0x39: {  	v29 =	vadd.s32 v1, v18;
	[tilespmem:v33+s11+$0x0] =	vst.idx.msk vm1, v20  }
0x3a: {  	v49 =	vor.u32 s8, v6;
	vm2 =	vmmov vm2;
	v48 =	vld [tilespmem:s30+$0xFFFFFF30];
	[tilespmem:v30+s11+$0x0] =	vst.idx.msk vm4, v24  }
0x3b: {  	s7 =	smax.u32 s6, $0x5D;
	vm5 =	vmmov vm3;
	s28 =	simm.s32 $0x7;
	[tilespmem:v28+s11+$0x0] =	vst.idx.msk vm3, v19;
	v28 =	vadd.s32 v5, v26  }
0x3c: {  	s14 =	sadd.s32 $0xFFFFFFA3, s7;
	s28 =	smin.u32 s28, $0x67;
	[tilespmem:v23+s11+$0x0] =	vst.idx.msk vm6, v31;
	v23 =	vadd.s32 v7, v25  }
0x3d: {  	v50 =	vor.u32 s28, v0;
	v19 =	vmov s14;
	[tilespmem:v34+s11+$0x0] =	vst.idx.msk vm7, v22;
	v31 =	vld [tilespmem:s23+$0x80]  }
0x3e: {  	[tilespmem:v29+s11+$0x0] =	vst.idx.msk vm8, v27;
	v19 =	vand.u32 $0xFF, v19;
	v27 =	vld [tilespmem:s30+$0xB0];
	v29 =	vor.u32 s2, v6  }
0x3f: {  	v30 =	vadd.s32 v1, v19;
	[tilespmem:v49+s11+$0x0] =	vst.idx.msk vm4, v48  }
0x40: {  	[tilespmem:v28+s11+$0x0] =	vst.idx.msk vm2, v20;
	v28 =	vadd.s32 v7, v21  }
0x41: {  	v51 =	vor.u32 s0, v6;
	[tilespmem:v23+s11+$0x0] =	vst.idx.msk vm5, v48;
	v23 =	vld [tilespmem:s30+$0xFFFFFFB0]  }
0x42: {  	v52 =	vor.u32 s8, v8;
	[tilespmem:v50+s11+$0x0] =	vst.idx.msk vm7, v31;
	v33 =	vld [tilespmem:s30+$0xFFFFFF40]  }
0x43: {  	s9 =	smax.u32 s6, $0x60;
	[tilespmem:v29+s11+$0x0] =	vst.idx.msk vm4, v27;
	v29 =	vadd.s32 v7, v26  }
0x44: {  	s9 =	sadd.s32 $0xFFFFFFA0, s9;
	[tilespmem:v30+s11+$0x0] =	vst.idx.msk vm8, v31;
	v30 =	vadd.s32 v7, v17  }
0x45: {  	v35 =	vadd.s32 v9, v25;
	vm1 =	vmmov vm7;
	v20 =	vmov s9;
	[tilespmem:v28+s11+$0x0] =	vst.idx.msk vm5, v27  }
0x46: {  	v61 =	vor.u32 s28, v2;
	v20 =	vand.u32 $0xFC, v20;
	v60 =	vld [tilespmem:s23+$0x90];
	[tilespmem:v51+s11+$0x0] =	vst.idx.msk vm4, v23  }
0x47: {  	v27 =	vadd.s32 v1, v20;
	[tilespmem:v52+s11+$0x0] =	vst.idx.msk vm4, v33  }
0x48: {  	v31 =	vor.u32 s2, v8;
	v28 =	vld [tilespmem:s30+$0xC0];
	[tilespmem:v29+s11+$0x0] =	vst.idx.msk vm2, v23  }
0x49: {  	v53 =	vadd.s32 v9, v21;
	[tilespmem:v30+s11+$0x0] =	vst.idx.msk vm5, v24  }
0x4a: {  	v29 =	vor.u32 s0, v8;
	[tilespmem:v35+s11+$0x0] =	vst.idx.msk vm5, v33;
	v23 =	vld [tilespmem:s30+$0xFFFFFFC0]  }
0x4b: {  	v54 =	vor.u32 s8, v10;
	[tilespmem:v61+s11+$0x0] =	vst.idx.msk vm1, v60;
	v33 =	vld [tilespmem:s30+$0xFFFFFF50]  }
0x4c: {  	v24 =	vor.u32 s31, v8;
	[tilespmem:v27+s11+$0x0] =	vst.idx.msk vm8, v22;
	v22 =	vld [tilespmem:s30+$0x40]  }
0x4d: {  	v55 =	vadd.s32 v11, v25;
	[tilespmem:v31+s11+$0x0] =	vst.idx.msk vm4, v28  }
0x4e: {  	v27 =	vadd.s32 v9, v17;
	[tilespmem:v53+s11+$0x0] =	vst.idx.msk vm5, v28  }
0x4f: {  	v30 =	vld [tilespmem:s23+$0xFFFFFF90];
	v31 =	vor.u32 s24, v2;
	[tilespmem:v29+s11+$0x0] =	vst.idx.msk vm4, v23  }
0x50: {  	v28 =	vadd.s32 v9, v26;
	[tilespmem:v54+s11+$0x0] =	vst.idx.msk vm4, v33  }
0x51: {  	v63 =	vor.u32 s26, v2;
	v62 =	vld [tilespmem:s23+$0xFFFFFF10];
	[tilespmem:v24+s11+$0x0] =	vst.idx.msk vm4, v22  }
0x52: {  	v29 =	vld [tilespmem:s30+$0xD0];
	v24 =	vor.u32 s2, v10;
	[tilespmem:v55+s11+$0x0] =	vst.idx.msk vm5, v33  }
0x53: {  	[tilespmem:v27+s11+$0x0] =	vst.idx.msk vm5, v22;
	v22 =	vadd.s32 v11, v21  }
0x54: {  	[tilespmem:v31+s11+$0x0] =	vst.idx.msk vm1, v30;
	v31 =	vor.u32 s31, v10;
	v27 =	vld [tilespmem:s30+$0x50]  }
0x55: {  	[tilespmem:v28+s11+$0x0] =	vst.idx.msk vm2, v23;
	v23 =	vadd.s32 v11, v17  }
0x56: {  	v56 =	vor.u32 s0, v10;
	[tilespmem:v63+s11+$0x0] =	vst.idx.msk vm1, v62;
	v28 =	vld [tilespmem:s30+$0xFFFFFFD0]  }
0x57: {  	v58 =	vor.u32 s25, v2;
	[tilespmem:v24+s11+$0x0] =	vst.idx.msk vm4, v29;
	v24 =	vld [tilespmem:s23+$0x10]  }
0x58: {  	[tilespmem:v22+s11+$0x0] =	vst.idx.msk vm5, v29;
	v22 =	vadd.s32 v11, v26  }
0x59: {  	v29 =	vld [tilespmem:s30+$0xFFFFFF60];
	[tilespmem:v31+s11+$0x0] =	vst.idx.msk vm4, v27;
	v31 =	vor.u32 s8, v12  }
0x5a: {  	vm3 =	vmmov vm8;
	[tilespmem:v23+s11+$0x0] =	vst.idx.msk vm5, v27;
	v23 =	vadd.s32 v13, v25  }
0x5b: {  	[tilespmem:v56+s11+$0x0] =	vst.idx.msk vm4, v28;
	v27 =	vadd.s32 v3, v18  }
0x5c: {  	v57 =	vadd.s32 v3, v16;
	[tilespmem:v58+s11+$0x0] =	vst.idx.msk vm1, v24  }
0x5d: {  	v36 =	vadd.s32 v3, v20;
	[tilespmem:v22+s11+$0x0] =	vst.idx.msk vm2, v28  }
0x5e: {  	v22 =	vadd.s32 v3, v19;
	[tilespmem:v31+s11+$0x0] =	vst.idx.msk vm4, v29  }
0x5f: {  	v28 =	vld [tilespmem:s30+$0x60];
	[tilespmem:v23+s11+$0x0] =	vst.idx.msk vm5, v29;
	v23 =	vor.u32 s31, v12  }
0x60: {  	v29 =	vld [tilespmem:s30+$0xFFFFFFE0];
	[tilespmem:v27+s11+$0x0] =	vst.idx.msk vm3, v24;
	v24 =	vor.u32 s0, v12  }
0x61: {  	[tilespmem:v57+s11+$0x0] =	vst.idx.msk vm6, v30;
	v27 =	vadd.s32 v13, v26  }
0x62: {  	v59 =	vor.u32 s2, v12;
	[tilespmem:v36+s11+$0x0] =	vst.idx.msk vm3, v62;
	v30 =	vld [tilespmem:s30+$0xE0]  }
0x63: {  	v31 =	vor.u32 s8, v14;
	v33 =	vld [tilespmem:s30+$0xFFFFFF70];
	[tilespmem:v22+s11+$0x0] =	vst.idx.msk vm3, v60  }
0x64: {  	v22 =	vadd.s32 v13, v17;
	[tilespmem:v23+s11+$0x0] =	vst.idx.msk vm4, v28  }
0x65: {  	[tilespmem:v24+s11+$0x0] =	vst.idx.msk vm4, v29;
	v23 =	vadd.s32 v13, v21  }
0x66: {  	v38 =	vor.u32 s25, v4;
	[tilespmem:v27+s11+$0x0] =	vst.idx.msk vm2, v29;
	v29 =	vld [tilespmem:s23+$0x20]  }
0x67: {  	v39 =	vor.u32 s0, v14;
	[tilespmem:v59+s11+$0x0] =	vst.idx.msk vm4, v30;
	v34 =	vld [tilespmem:s30+$0xFFFFFFF0]  }
0x68: {  	v32 =	vld [tilespmem:s23+$0xFFFFFF20];
	[tilespmem:v31+s11+$0x0] =	vst.idx.msk vm4, v33  }
0x69: {  	v37 =	vadd.s32 v15, v25;
	vm7 =	vmmov vm3;
	v27 =	vld [tilespmem:s23+$0xFFFFFFA0];
	[tilespmem:v22+s11+$0x0] =	vst.idx.msk vm5, v28  }
0x6a: {  	v35 =	vor.u32 s2, v14;
	vm8 =	vmmov vm1;
	v36 =	vadd.s32 v15, v26;
	v31 =	vld [tilespmem:s30+$0x70];
	[tilespmem:v23+s11+$0x0] =	vst.idx.msk vm5, v30  }
0x6b: {  	v25 =	vor.u32 s26, v4;
	v26 =	vor.u32 s28, v4;
	v24 =	vadd.s32 v15, v21;
	v28 =	vld [tilespmem:s30+$0xF0];
	[tilespmem:v38+s11+$0x0] =	vst.idx.msk vm1, v29  }
0x6c: {  	v21 =	vor.u32 s25, v14;
	v22 =	vadd.s32 v15, v19;
	v23 =	vor.u32 s31, v14;
	v30 =	vld [tilespmem:s23+$0xA0];
	s31 =	simm.s32 $0x500;
	s30 =	simm.s32 $0x8;
	[tilespmem:v39+s11+$0x0] =	vst.idx.msk vm4, v34  }
.LBB2_2:
0x6d: {  	s2 =	smax.u32 s30, $0x60  }
0x6e: {  	s8 =	sadd.s32 $0x6, s29;
	[tilespmem:v37+s11+$0x0] =	vst.idx.msk vm5, v33;
	s14 =	smov.u32 s29;
	s29 =	sadd.s32 $0x4, s29;
	vm9 =	vmmov vm0;
	v39 =	vadd.s32 v5, v20  }
0x6f: {  	vm10 =	vmmov vm0;
	p0 =	slt.u32 s29, $0x68;
	s0 =	smin.u32 s29, $0x67;
	s9 =	smin.u32 s8, $0x67;
	v33 =	vld [tilespmem:s31+$0x80];
	[tilespmem:v36+s11+$0x0] =	vst.idx.msk vm2, v34;
	v34 =	vadd.s32 v15, v17;
	v17 =	vmovc v18;
	vm2 =	vmmov vm6  }
0x70: {  	s8 =	smax.u32 s30, $0x5E;
	p1 =	sgt.u32 s29, $0x5F;
	s6 =	sadd.s32 $0x5, s14;
	v36 =	vor.u32 s24, v4;
	vm9 =	vmneg @p0 vm9;
	v37 =	vadd.s32 v5, v17;
	[tilespmem:v35+s11+$0x0] =	vst.idx.msk vm4, v28  }
0x71: {  	v43 =	vadd.s32 v5, v19;
	s7 =	sadd.s32 $0xFFFFFFA0, s2;
	s8 =	sadd.s32 $0xFFFFFFA2, s8;
	vm10 =	vmneg @p1 vm10;
	v35 =	vor.u32 s0, v0;
	s2 =	smin.u32 s6, $0x67;
	v38 =	vld [tilespmem:s31+$0x0];
	[tilespmem:v26+s11+$0x0] =	vst.idx.msk vm1, v30  }
0x72: {  	s6 =	smax.u32 s30, $0x5D;
	p1 =	sgt.u32 s29, $0x5E;
	v41 =	vor.u32 s9, v0;
	v40 =	vor.u32 s2, v0;
	v18 =	vmov s8;
	s8 =	sadd.s32 $0x7, s14;
	[tilespmem:v25+s11+$0x0] =	vst.idx.msk vm1, v32  }
0x73: {  	vm6 =	vmmov vm0;
	s6 =	sadd.s32 $0xFFFFFFA3, s6;
	s14 =	smax.u32 s30, $0x5F;
	v25 =	vmov s7;
	v18 =	vand.u32 $0xFE, v18;
	s8 =	smin.u32 s8, $0x67;
	v42 =	vld [tilespmem:s31+$0xFFFFFF80];
	[tilespmem:v24+s11+$0x0] =	vst.idx.msk vm5, v28;
	v24 =	vmovc v22  }
0x74: {  	p0 =	slt.u32 s29, $0xC4;
	s7 =	sadd.s32 $0xFFFFFFA1, s14;
	v25 =	vand.u32 $0xFC, v25;
	v44 =	vadd.s32 v1, v18;
	v22 =	vmov s6;
	[tilespmem:v23+s11+$0x0] =	vst.idx.msk vm4, v31;
	v23 =	vmovc v21  }
0x75: {  	v46 =	vadd.s32 v1, v25;
	v21 =	vmov s7;
	v28 =	vand.u32 $0xFF, v22;
	v45 =	vld [tilespmem:s31+$0xFFFFFF00];
	[tilespmem:v34+s11+$0x0] =	vst.idx.msk vm5, v31  }
0x76: {  	vm6 =	vmneg @p1 vm6;
	v26 =	vand.u32 $0xFD, v21;
	v31 =	vadd.s32 v1, v28;
	[tilespmem:v39+s11+$0x0] =	vst.idx.msk vm3, v32  }
0x77: {  	v34 =	vor.u32 s8, v0;
	v22 =	vadd.s32 v15, v28;
	v32 =	vadd.s32 v1, v26;
	[tilespmem:v41+s11+$0x0] =	vst.idx.msk vm9, v38  }
0x78: {  	vm4 =	vmmov vm1;
	vm1 =	vmmov vm9;
	v21 =	vor.u32 s9, v14;
	[tilespmem:v40+s11+$0x0] =	vst.idx.msk vm9, v42  }
0x79: {  	vm5 =	vmmov vm3;
	[tilespmem:v37+s11+$0x0] =	vst.idx.msk vm3, v29;
	vm3 =	vmmov vm10  }
0x7a: {  	v37 =	vor.u32 s25, v6;
	v29 =	vld [tilespmem:s23+$0x30];
	[tilespmem:v43+s11+$0x0] =	vst.idx.msk vm7, v30;
	vm7 =	vmmov vm10  }
0x7b: {  	v30 =	vadd.s32 v5, v16;
	[tilespmem:v36+s11+$0x0] =	vst.idx.msk vm8, v27;
	vm8 =	vmmov vm9  }
0x7c: {  	v36 =	vor.u32 s26, v6;
	[tilespmem:v35+s11+$0x0] =	vst.idx.msk vm9, v45;
	v35 =	vld [tilespmem:s23+$0xFFFFFF30]  }
0x7d: {  	[tilespmem:v32+s11+$0x0] =	vst.idx.msk vm6, v42;
	v32 =	vadd.s32 v7, v20  }
0x7e: {  	[tilespmem:v44+s11+$0x0] =	vst.idx.msk vm10, v38  }
0x7f: {  	v39 =	vor.u32 s28, v6;
	v38 =	vadd.s32 v3, v26;
	[tilespmem:v37+s11+$0x0] =	vst.idx.msk vm4, v29;
	v37 =	vld [tilespmem:s23+$0xB0]  }
0x80: {  	[tilespmem:v30+s11+$0x0] =	vst.idx.msk vm2, v27  }
0x81: {  	v27 =	vadd.s32 v7, v19;
	[tilespmem:v36+s11+$0x0] =	vst.idx.msk vm4, v35  }
0x82: {  	[tilespmem:v32+s11+$0x0] =	vst.idx.msk vm5, v35;
	v30 =	vld [tilespmem:s23+$0xFFFFFFB0];
	v32 =	vor.u32 s24, v6  }
0x83: {  	v35 =	vor.u32 s26, v8;
	[tilespmem:v34+s11+$0x0] =	vst.idx.msk vm9, v33;
	v34 =	vld [tilespmem:s23+$0xFFFFFF40]  }
0x84: {  	v36 =	vadd.s32 v9, v20;
	[tilespmem:v39+s11+$0x0] =	vst.idx.msk vm4, v37  }
0x85: {  	[tilespmem:v31+s11+$0x0] =	vst.idx.msk vm10, v33;
	v31 =	vadd.s32 v7, v16  }
0x86: {  	v33 =	vadd.s32 v7, v17;
	[tilespmem:v27+s11+$0x0] =	vst.idx.msk vm5, v37  }
0x87: {  	v27 =	vld [tilespmem:s31+$0xFFFFFF90];
	[tilespmem:v32+s11+$0x0] =	vst.idx.msk vm4, v30  }
0x88: {  	[tilespmem:v35+s11+$0x0] =	vst.idx.msk vm4, v34;
	v32 =	vld [tilespmem:s23+$0xC0];
	v35 =	vor.u32 s28, v8  }
0x89: {  	[tilespmem:v36+s11+$0x0] =	vst.idx.msk vm5, v34;
	v34 =	vadd.s32 v9, v19  }
0x8a: {  	v37 =	vor.u32 s26, v10;
	v36 =	vld [tilespmem:s23+$0xFFFFFF50];
	[tilespmem:v31+s11+$0x0] =	vst.idx.msk vm2, v30  }
0x8b: {  	v31 =	vor.u32 s24, v8;
	v30 =	vld [tilespmem:s23+$0xFFFFFFC0];
	[tilespmem:v33+s11+$0x0] =	vst.idx.msk vm5, v29  }
0x8c: {  	v33 =	vor.u32 s25, v8;
	[tilespmem:v46+s11+$0x0] =	vst.idx.msk vm3, v45;
	v29 =	vld [tilespmem:s23+$0x40]  }
0x8d: {  	v39 =	vadd.s32 v9, v17;
	[tilespmem:v35+s11+$0x0] =	vst.idx.msk vm4, v32  }
0x8e: {  	v40 =	vor.u32 s2, v2;
	v35 =	vld [tilespmem:s31+$0xFFFFFF10];
	[tilespmem:v34+s11+$0x0] =	vst.idx.msk vm5, v32  }
0x8f: {  	v32 =	vadd.s32 v9, v16;
	[tilespmem:v37+s11+$0x0] =	vst.idx.msk vm4, v36;
	v34 =	vld [tilespmem:s23+$0xD0]  }
0x90: {  	v37 =	vadd.s32 v11, v20;
	[tilespmem:v31+s11+$0x0] =	vst.idx.msk vm4, v30  }
0x91: {  	v31 =	vor.u32 s28, v10;
	[tilespmem:v33+s11+$0x0] =	vst.idx.msk vm4, v29  }
0x92: {  	[tilespmem:v39+s11+$0x0] =	vst.idx.msk vm5, v29;
	v29 =	vadd.s32 v11, v19  }
0x93: {  	v39 =	vor.u32 s25, v10;
	[tilespmem:v40+s11+$0x0] =	vst.idx.msk vm1, v27;
	v33 =	vld [tilespmem:s23+$0x50]  }
0x94: {  	v40 =	vld [tilespmem:s31+$0x10];
	[tilespmem:v32+s11+$0x0] =	vst.idx.msk vm2, v30;
	v30 =	vadd.s32 v11, v17  }
0x95: {  	[tilespmem:v37+s11+$0x0] =	vst.idx.msk vm5, v36;
	v32 =	vld [tilespmem:s23+$0xFFFFFFD0];
	v36 =	vor.u32 s24, v10  }
0x96: {  	v37 =	vld [tilespmem:s31+$0x90];
	[tilespmem:v31+s11+$0x0] =	vst.idx.msk vm4, v34  }
0x97: {  	v31 =	vor.u32 s9, v2;
	v41 =	vld [tilespmem:s23+$0xFFFFFF60];
	[tilespmem:v29+s11+$0x0] =	vst.idx.msk vm5, v34  }
0x98: {  	v29 =	vadd.s32 v11, v16;
	[tilespmem:v39+s11+$0x0] =	vst.idx.msk vm4, v33;
	v39 =	vld [tilespmem:s23+$0xE0]  }
0x99: {  	v34 =	vor.u32 s26, v12;
	[tilespmem:v30+s11+$0x0] =	vst.idx.msk vm5, v33  }
0x9a: {  	v30 =	vadd.s32 v13, v20;
	[tilespmem:v36+s11+$0x0] =	vst.idx.msk vm4, v32;
	v36 =	vld [tilespmem:s23+$0x60]  }
0x9b: {  	[tilespmem:v38+s11+$0x0] =	vst.idx.msk vm6, v27;
	v27 =	vadd.s32 v3, v18  }
0x9c: {  	[tilespmem:v31+s11+$0x0] =	vst.idx.msk vm1, v40;
	v31 =	vor.u32 s28, v12  }
0x9d: {  	v33 =	vor.u32 s8, v2;
	[tilespmem:v29+s11+$0x0] =	vst.idx.msk vm2, v32  }
0x9e: {  	v29 =	vadd.s32 v3, v28;
	[tilespmem:v34+s11+$0x0] =	vst.idx.msk vm4, v41;
	v32 =	vld [tilespmem:s23+$0xFFFFFFE0]  }
0x9f: {  	[tilespmem:v30+s11+$0x0] =	vst.idx.msk vm5, v41;
	v30 =	vor.u32 s25, v12;
	s25 =	smov.u32 s9  }
0xa0: {  	v34 =	vor.u32 s24, v12;
	[tilespmem:v27+s11+$0x0] =	vst.idx.msk vm3, v40  }
0xa1: {  	v38 =	vadd.s32 v13, v16;
	v27 =	vld [tilespmem:s31+$0xFFFFFFA0];
	[tilespmem:v31+s11+$0x0] =	vst.idx.msk vm4, v39  }
0xa2: {  	v31 =	vor.u32 s26, v14;
	s26 =	smov.u32 s0;
	[tilespmem:v33+s11+$0x0] =	vst.idx.msk vm1, v37;
	v33 =	vld [tilespmem:s23+$0xFFFFFF70]  }
0xa3: {  	v40 =	vor.u32 s26, v2;
	[tilespmem:v29+s11+$0x0] =	vst.idx.msk vm3, v37  }
0xa4: {  	[tilespmem:v30+s11+$0x0] =	vst.idx.msk vm4, v36;
	v30 =	vadd.s32 v13, v17  }
0xa5: {  	v41 =	vadd.s32 v13, v19;
	v19 =	vmov v28;
	v29 =	vld [tilespmem:s31+$0x20];
	[tilespmem:v34+s11+$0x0] =	vst.idx.msk vm4, v32  }
0xa6: {  	v28 =	vadd.s32 v3, v25;
	[tilespmem:v38+s11+$0x0] =	vst.idx.msk vm2, v32  }
0xa7: {  	v32 =	vor.u32 s25, v4;
	[tilespmem:v31+s11+$0x0] =	vst.idx.msk vm4, v33;
	v34 =	vld [tilespmem:s23+$0xFFFFFFF0]  }
0xa8: {  	v38 =	vor.u32 s24, v14;
	s24 =	smov.u32 s2;
	[tilespmem:v40+s11+$0x0] =	vst.idx.msk vm1, v35  }
.Ltmp2:
0xa9: {  	v37 =	vadd.s32 v15, v20;
	v20 =	vmov v25;
	[tilespmem:v30+s11+$0x0] =	vst.idx.msk vm5, v36;
	(pc) =	sbr.rel @p0 .LBB2_2-.Ltmp2, $4  }
0xaa: {  	v36 =	vadd.s32 v15, v16;
	v16 =	vmov v26;
	v31 =	vld [tilespmem:s23+$0x70];
	[tilespmem:v41+s11+$0x0] =	vst.idx.msk vm5, v39  }
0xab: {  	[tilespmem:v28+s11+$0x0] =	vst.idx.msk vm3, v35;
	v28 =	vld [tilespmem:s23+$0xF0];
	v35 =	vor.u32 s28, v14;
	s28 =	smov.u32 s8;
	s23 =	smov.u32 s31  }
0xac: {  	[tilespmem:v32+s11+$0x0] =	vst.idx.msk vm1, v29;
	v30 =	vld [tilespmem:s31+$0xA0];
	v26 =	vor.u32 s28, v4  }
0xad: {  	s30 =	sadd.s32 $0x4, s30;
	v25 =	vor.u32 s26, v4;
	s31 =	sadd.s32 $0x200, s31;
	v32 =	vld [tilespmem:s23+$0xFFFFFF20];
	[tilespmem:v38+s11+$0x0] =	vst.idx.msk vm4, v34  }
0xae: {  	_ =	sdelay $0x3  }
0xaf: {  	v50 =	vadd.s32 v5, v20  }
0xb0: {  	[tilespmem:v37+s11+$0x0] =	vst.idx.msk vm5, v33;
	v17 =	vadd.s32 v15, v17  }
0xb1: {  	v51 =	vadd.s32 v5, v18;
	[tilespmem:v23+s11+$0x0] =	vst.idx.msk vm4, v31  }
0xb2: {  	v52 =	vadd.s32 v5, v19;
	[tilespmem:v26+s11+$0x0] =	vst.idx.msk vm1, v30  }
0xb3: {  	[tilespmem:v25+s11+$0x0] =	vst.idx.msk vm1, v32  }
0xb4: {  	v53 =	vor.u32 s24, v4;
	[tilespmem:v50+s11+$0x0] =	vst.idx.msk vm3, v32  }
0xb5: {  	v54 =	vadd.s32 v5, v16;
	vm1 =	vmmov vm1;
	[tilespmem:v17+s11+$0x0] =	vst.idx.msk vm5, v31  }
0xb6: {  	v55 =	vor.u32 s26, v6;
	[tilespmem:v51+s11+$0x0] =	vst.idx.msk vm3, v29;
	v17 =	vld [tilespmem:s23+$0xFFFFFF30]  }
0xb7: {  	v57 =	vor.u32 s25, v6;
	[tilespmem:v52+s11+$0x0] =	vst.idx.msk vm7, v30;
	v29 =	vld [tilespmem:s23+$0x30]  }
0xb8: {  	[tilespmem:v36+s11+$0x0] =	vst.idx.msk vm2, v34;
	v59 =	vor.u32 s28, v6;
	v58 =	vld [tilespmem:s23+$0xB0]  }
0xb9: {  	v56 =	vadd.s32 v7, v20;
	[tilespmem:v53+s11+$0x0] =	vst.idx.msk vm8, v27  }
0xba: {  	v60 =	vadd.s32 v7, v19;
	[tilespmem:v54+s11+$0x0] =	vst.idx.msk vm6, v27  }
0xbb: {  	v33 =	vadd.s32 v7, v18;
	[tilespmem:v55+s11+$0x0] =	vst.idx.msk vm1, v17  }
0xbc: {  	[tilespmem:v57+s11+$0x0] =	vst.idx.msk vm1, v29  }
0xbd: {  	v61 =	vor.u32 s24, v6;
	v27 =	vld [tilespmem:s23+$0xFFFFFFB0];
	[tilespmem:v59+s11+$0x0] =	vst.idx.msk vm1, v58  }
0xbe: {  	[tilespmem:v56+s11+$0x0] =	vst.idx.msk vm3, v17;
	v17 =	vadd.s32 v7, v16  }
0xbf: {  	v62 =	vor.u32 s26, v8;
	[tilespmem:v60+s11+$0x0] =	vst.idx.msk vm3, v58;
	v26 =	vld [tilespmem:s23+$0xFFFFFF40]  }
0xc0: {  	v34 =	vor.u32 s28, v8;
	[tilespmem:v33+s11+$0x0] =	vst.idx.msk vm3, v29;
	v23 =	vld [tilespmem:s23+$0xC0]  }
0xc1: {  	v39 =	vor.u32 s25, v8;
	[tilespmem:v35+s11+$0x0] =	vst.idx.msk vm4, v28;
	v25 =	vld [tilespmem:s23+$0x40]  }
0xc2: {  	v63 =	vadd.s32 v9, v20;
	[tilespmem:v61+s11+$0x0] =	vst.idx.msk vm1, v27  }
0xc3: {  	vm15 =	vmmov vm3;
	v35 =	vadd.s32 v9, v19;
	[tilespmem:v17+s11+$0x0] =	vst.idx.msk vm6, v27  }
0xc4: {  	v40 =	vadd.s32 v9, v18;
	[tilespmem:v62+s11+$0x0] =	vst.idx.msk vm1, v26  }
0xc5: {  	[tilespmem:v34+s11+$0x0] =	vst.idx.msk vm1, v23  }
0xc6: {  	vm2 =	vmmov vm6;
	v36 =	vor.u32 s24, v8;
	v17 =	vld [tilespmem:s23+$0xFFFFFFC0];
	[tilespmem:v39+s11+$0x0] =	vst.idx.msk vm1, v25  }
0xc7: {  	v37 =	vadd.s32 v9, v16;
	[tilespmem:v63+s11+$0x0] =	vst.idx.msk vm3, v26  }
0xc8: {  	v38 =	vor.u32 s26, v10;
	[tilespmem:v35+s11+$0x0] =	vst.idx.msk vm3, v23;
	v30 =	vld [tilespmem:s23+$0xFFFFFF50]  }
0xc9: {  	v43 =	vor.u32 s28, v10;
	[tilespmem:v40+s11+$0x0] =	vst.idx.msk vm15, v25;
	v42 =	vld [tilespmem:s23+$0xD0]  }
0xca: {  	v47 =	vor.u32 s25, v10;
	v25 =	vld [tilespmem:s23+$0x50]  }
0xcb: {  	v41 =	vadd.s32 v11, v20;
	[tilespmem:v36+s11+$0x0] =	vst.idx.msk vm1, v17  }
0xcc: {  	v46 =	vadd.s32 v11, v19;
	[tilespmem:v37+s11+$0x0] =	vst.idx.msk vm2, v17  }
0xcd: {  	v48 =	vadd.s32 v11, v18;
	[tilespmem:v38+s11+$0x0] =	vst.idx.msk vm1, v30  }
0xce: {  	[tilespmem:v43+s11+$0x0] =	vst.idx.msk vm1, v42  }
0xcf: {  	v44 =	vor.u32 s24, v10;
	v17 =	vld [tilespmem:s23+$0xFFFFFFD0];
	[tilespmem:v47+s11+$0x0] =	vst.idx.msk vm1, v25  }
0xd0: {  	v45 =	vadd.s32 v11, v16;
	[tilespmem:v41+s11+$0x0] =	vst.idx.msk vm15, v30  }
0xd1: {  	v50 =	vor.u32 s26, v12;
	[tilespmem:v46+s11+$0x0] =	vst.idx.msk vm15, v42;
	v49 =	vld [tilespmem:s23+$0xFFFFFF60]  }
0xd2: {  	v55 =	vor.u32 s28, v12;
	[tilespmem:v48+s11+$0x0] =	vst.idx.msk vm15, v25;
	v54 =	vld [tilespmem:s23+$0xE0]  }
0xd3: {  	v56 =	vor.u32 s25, v12;
	v25 =	vld [tilespmem:s23+$0x60]  }
0xd4: {  	v51 =	vadd.s32 v13, v20;
	[tilespmem:v44+s11+$0x0] =	vst.idx.msk vm1, v17  }
0xd5: {  	v57 =	vadd.s32 v13, v19;
	[tilespmem:v45+s11+$0x0] =	vst.idx.msk vm2, v17  }
0xd6: {  	v59 =	vadd.s32 v13, v18;
	[tilespmem:v50+s11+$0x0] =	vst.idx.msk vm1, v49  }
0xd7: {  	[tilespmem:v55+s11+$0x0] =	vst.idx.msk vm1, v54  }
0xd8: {  	v52 =	vor.u32 s24, v12;
	v17 =	vld [tilespmem:s23+$0xFFFFFFE0];
	[tilespmem:v56+s11+$0x0] =	vst.idx.msk vm1, v25  }
0xd9: {  	v53 =	vadd.s32 v13, v16;
	[tilespmem:v51+s11+$0x0] =	vst.idx.msk vm15, v49  }
0xda: {  	v58 =	vor.u32 s26, v14;
	[tilespmem:v57+s11+$0x0] =	vst.idx.msk vm15, v54;
	v26 =	vld [tilespmem:s23+$0xFFFFFF70]  }
0xdb: {  	v62 =	vor.u32 s28, v14;
	[tilespmem:v59+s11+$0x0] =	vst.idx.msk vm15, v25;
	v19 =	vld [tilespmem:s23+$0xF0]  }
0xdc: {  	[tilespmem:v24+s11+$0x0] =	vst.idx.msk vm5, v28;
	v24 =	vld [tilespmem:s23+$0x70]  }
0xdd: {  	v61 =	vadd.s32 v15, v20;
	[tilespmem:v52+s11+$0x0] =	vst.idx.msk vm1, v17  }
0xde: {  	[tilespmem:v53+s11+$0x0] =	vst.idx.msk vm2, v17  }
0xdf: {  	v63 =	vadd.s32 v15, v18;
	[tilespmem:v58+s11+$0x0] =	vst.idx.msk vm1, v26  }
0xe0: {  	v60 =	vor.u32 s24, v14;
	v17 =	vld [tilespmem:s23+$0xFFFFFFF0];
	[tilespmem:v62+s11+$0x0] =	vst.idx.msk vm1, v19  }
0xe1: {  	v16 =	vadd.s32 v15, v16;
	[tilespmem:v21+s11+$0x0] =	vst.idx.msk vm1, v24  }
0xe2: {  	[tilespmem:v61+s11+$0x0] =	vst.idx.msk vm15, v26  }
0xe3: {  	[tilespmem:v22+s11+$0x0] =	vst.idx.msk vm15, v19  }
0xe4: {  	[tilespmem:v63+s11+$0x0] =	vst.idx.msk vm15, v24  }
0xe5: {  	[tilespmem:v60+s11+$0x0] =	vst.idx.msk vm1, v17  }
0xe6: {  	[tilespmem:v16+s11+$0x0] =	vst.idx.msk vm2, v17  }
0xe7: {  	[tilespmem:s13], [sflag:$0x1] =	stream.indirect.gather [hbm4b:s3+s12], $0x80, s11, s12, $0xb8;
	[tilespmem:$0x1B400] =	vst v63  }
0xe8: {  	s0 =	simm.s32 $0x6480;
	s23 =	simm.s32 $0x0  }
0xe9: {  	[tilespmem:s15], [sflag:$0x2] =	stream.indirect.gather [hbm4b:s3+s12], $0x80, s0, s12, $0xb8;
	[tilespmem:$0x1B400] =	vst v63  }
.LBB2_4:
0xea: {  	_ =	swait.ge [sflag:s16], $0x3400  }
0xeb: {  	p0 =	seq.s32 s23, $0x0;
	[sflag:s16] =	ssyncset.done $0x0  }
0xec: {  	s0 =	simm.s32 @!p0 $0x3;
	[sflag:s16] =	ssyncadd.s32 $0xFFFFCC00  }
0xed: {  	_ =	swait.ge @!p0 [sflag:s0], $0x3400  }
0xee: {  	[sflag:s0] =	ssyncset.done @!p0 $0x0  }
0xef: {  	s31 =	simm.s32 $0xE500;
	[sflag:s0] =	ssyncadd.s32 @!p0 $0xFFFFCC00  }
0xf0: {  	v17 =	vld [tilespmem:s31+$0xFFFFFF80]  }
0xf1: {  	v16 =	vld [tilespmem:s31+$0x80]  }
0xf2: {  	v18 =	vld [tilespmem:s31+$0x0];
	_ =	sdelay $0x1  }
0xf3: {  	s2 =	simm.s32 $0x14D00  }
0xf4: {  	v19 =	vld [tilespmem:s31+$0xFFFFFF00];
	[tilespmem:s2+$0xFFFFFF80] =	vst v17  }
0xf5: {  	[tilespmem:s2+$0x80] =	vst v16;
	v17 =	vld [tilespmem:s31+$0xFFFFFF90]  }
0xf6: {  	[tilespmem:s2+$0x0] =	vst v18;
	v16 =	vld [tilespmem:s31+$0x90]  }
0xf7: {  	v18 =	vld [tilespmem:s31+$0x10]  }
0xf8: {  	s8 =	simm.s32 $0xE700  }
0xf9: {  	v20 =	vld [tilespmem:s8+$0x80];
	[tilespmem:s2+$0xFFFFFF00] =	vst v19  }
0xfa: {  	v19 =	vld [tilespmem:s31+$0xFFFFFF10];
	[tilespmem:s2+$0xFFFFFF90] =	vst v17  }
0xfb: {  	[tilespmem:s2+$0x90] =	vst v16;
	v17 =	vld [tilespmem:s31+$0xFFFFFFA0]  }
0xfc: {  	[tilespmem:s2+$0x10] =	vst v18;
	v16 =	vld [tilespmem:s31+$0xA0]  }
0xfd: {  	s9 =	simm.s32 $0x14F00;
	v18 =	vld [tilespmem:s31+$0x20]  }
0xfe: {  	v21 =	vld [tilespmem:s8+$0xFFFFFF80];
	[tilespmem:s9+$0x80] =	vst v20  }
0xff: {  	v20 =	vld [tilespmem:s8+$0x90];
	[tilespmem:s2+$0xFFFFFF10] =	vst v19  }
0x100: {  	[tilespmem:s2+$0xFFFFFFA0] =	vst v17;
	v17 =	vld [tilespmem:s8+$0x0]  }
0x101: {  	v19 =	vld [tilespmem:s8+$0xFFFFFF00];
	[tilespmem:s2+$0xA0] =	vst v16  }
0x102: {  	[tilespmem:s2+$0x20] =	vst v18;
	v18 =	vld [tilespmem:s31+$0xFFFFFF20]  }
0x103: {  	[tilespmem:s9+$0xFFFFFF80] =	vst v21;
	v16 =	vld [tilespmem:s31+$0xB0]  }
0x104: {  	v21 =	vld [tilespmem:s8+$0xFFFFFF90];
	[tilespmem:s9+$0x90] =	vst v20  }
0x105: {  	[tilespmem:s9+$0x0] =	vst v17;
	v17 =	vld [tilespmem:s31+$0xFFFFFFB0]  }
0x106: {  	[tilespmem:s9+$0xFFFFFF00] =	vst v19;
	v22 =	vld [tilespmem:s8+$0x10]  }
0x107: {  	v23 =	vld [tilespmem:s8+$0xFFFFFF10];
	[tilespmem:s2+$0xFFFFFF20] =	vst v18  }
0x108: {  	[tilespmem:s2+$0xB0] =	vst v16;
	v16 =	vld [tilespmem:s31+$0xFFFFFF30]  }
0x109: {  	[tilespmem:s9+$0xFFFFFF90] =	vst v21;
	v18 =	vld [tilespmem:s8+$0xA0]  }
0x10a: {  	v19 =	vld [tilespmem:s8+$0xFFFFFFA0];
	[tilespmem:s2+$0xFFFFFFB0] =	vst v17  }
0x10b: {  	v17 =	vld [tilespmem:s31+$0x30];
	[tilespmem:s9+$0x10] =	vst v22  }
0x10c: {  	s24 =	simm.s32 $0x4;
	s25 =	simm.s32 $0xE900;
	s0 =	sshll.u32 s23, $0xA;
	[tilespmem:s9+$0xFFFFFF10] =	vst v23;
	v20 =	vld [tilespmem:s8+$0x20]  }
.LBB2_5:
0x10d: {  	v21 =	vld [tilespmem:s25+$0x80];
	s24 =	sadd.s32 $0x4, s24;
	[tilespmem:s2+$0xFFFFFF30] =	vst v16  }
0x10e: {  	v16 =	vld [tilespmem:s25+$0xFFFFFF80];
	p1 =	slt.u32 s24, $0x64;
	[tilespmem:s9+$0xA0] =	vst v18  }
0x10f: {  	[tilespmem:s9+$0xFFFFFFA0] =	vst v19;
	v18 =	vld [tilespmem:s8+$0xB0]  }
0x110: {  	v19 =	vld [tilespmem:s25+$0x0];
	[tilespmem:s2+$0x30] =	vst v17;
	s2 =	smov.u32 s9  }
0x111: {  	s9 =	sadd.s32 $0x200, s9;
	v17 =	vld [tilespmem:s25+$0xFFFFFF00];
	[tilespmem:s2+$0x20] =	vst v20  }
0x112: {  	[tilespmem:s9+$0x80] =	vst v21;
	v20 =	vld [tilespmem:s8+$0xFFFFFF20]  }
0x113: {  	[tilespmem:s9+$0xFFFFFF80] =	vst v16;
	v16 =	vld [tilespmem:s25+$0x90]  }
0x114: {  	v21 =	vld [tilespmem:s25+$0xFFFFFF90];
	[tilespmem:s2+$0xB0] =	vst v18  }
0x115: {  	[tilespmem:s9+$0x0] =	vst v19;
	v22 =	vld [tilespmem:s8+$0xFFFFFFB0]  }
0x116: {  	[tilespmem:s9+$0xFFFFFF00] =	vst v17;
	v17 =	vld [tilespmem:s25+$0x10]  }
0x117: {  	v23 =	vld [tilespmem:s25+$0xFFFFFF10];
	[tilespmem:s2+$0xFFFFFF20] =	vst v20  }
.Ltmp3:
0x118: {  	[tilespmem:s9+$0x90] =	vst v16;
	v16 =	vld [tilespmem:s8+$0xFFFFFF30];
	(pc) =	sbr.rel @p1 .LBB2_5-.Ltmp3, $4  }
0x119: {  	[tilespmem:s9+$0xFFFFFF90] =	vst v21;
	v18 =	vld [tilespmem:s25+$0xA0]  }
0x11a: {  	v19 =	vld [tilespmem:s25+$0xFFFFFFA0];
	[tilespmem:s2+$0xFFFFFFB0] =	vst v22  }
0x11b: {  	[tilespmem:s9+$0x10] =	vst v17;
	v17 =	vld [tilespmem:s8+$0x30];
	s8 =	smov.u32 s25  }
0x11c: {  	s25 =	sadd.s32 $0x200, s25;
	[tilespmem:s9+$0xFFFFFF10] =	vst v23;
	v20 =	vld [tilespmem:s8+$0x20]  }
0x11d: {  	v21 =	vld [tilespmem:s8+$0xFFFFFF20]  }
0x11e: {  	[tilespmem:s2+$0xFFFFFF30] =	vst v16  }
0x11f: {  	[tilespmem:s9+$0xA0] =	vst v18  }
0x120: {  	[tilespmem:s9+$0xFFFFFFA0] =	vst v19;
	v18 =	vld [tilespmem:s8+$0xB0]  }
0x121: {  	v19 =	vld [tilespmem:s8+$0xFFFFFFB0];
	[tilespmem:s9+$0x20] =	vst v20  }
0x122: {  	[tilespmem:s9+$0xFFFFFF20] =	vst v21;
	v16 =	vld [tilespmem:s8+$0x30]  }
0x123: {  	v63 =	vld [tilespmem:s8+$0xFFFFFF30]  }
0x124: {  	p1 =	sne.s32 s23, $0x7F;
	[tilespmem:s2+$0x30] =	vst v17  }
.Ltmp4:
0x125: {  	s2 =	sor.u32 s4, s23;
	[tilespmem:s9+$0xB0] =	vst v18;
	(pc) =	sbr.rel @p1 .LBB2_8-.Ltmp4, $4  }
0x126: {  	s6 =	smul.u32 $0xC80, s2;
	[tilespmem:s9+$0xFFFFFFB0] =	vst v19  }
0x127: {  	[tilespmem:s9+$0x30] =	vst v16  }
0x128: {  	s6 =	sadd.s32 s5, s6;
	[tilespmem:s9+$0xFFFFFF30] =	vst v63  }
0x129: {  	[hbm4b:s6+s1] =	stream.linear.scatter [tilespmem:s17], [sflag:$0x3], $0x3400, $0x38;
	[tilespmem:$0x1B400] =	vst v63  }
.Ltmp5:
0x12a: {  	(pc) =	sbr.rel .LBB2_9-.Ltmp5, $4  }
0x12b: {  	_ = 	snop  }
0x12c: {  	_ =	swait.ge [sflag:s18], $0x3400  }
0x12d: {  	[sflag:s18] =	ssyncset.done $0x0  }
0x12e: {  	[sflag:s18] =	ssyncadd.s32 $0xFFFFCC00  }
.LBB2_8:
0x12f: {  	s6 =	sshrl.u32 s0, $0x2  }
.Ltmp6:
0x130: {  	s6 =	sadd.s32 $0x6500, s6;
	(pc) =	sbr.rel @p0 .LBB2_10-.Ltmp6, $4  }
0x131: {  	[tilespmem:s13], [sflag:$0x1] =	stream.indirect.gather [hbm4b:s3+s12], $0x80, s6, s12, $0xb8;
	[tilespmem:$0x1B400] =	vst v63  }
0x132: {  	_ =	swait.ge [sflag:s18], $0x3400  }
0x133: {  	[sflag:s18] =	ssyncset.done $0x0  }
0x134: {  	[sflag:s18] =	ssyncadd.s32 $0xFFFFCC00  }
.LBB2_9:
0x135: {  	_ =	swait.ge [sflag:s19], $0x3400  }
0x136: {  	[sflag:s19] =	ssyncset.done $0x0  }
0x137: {  	[sflag:s19] =	ssyncadd.s32 $0xFFFFCC00  }
.LBB2_10:
0x138: {  	s6 =	simm.s32 $0x119B0  }
0x139: {  	v17 =	vld [tilespmem:s6+$0xFFFFFED0]  }
0x13a: {  	v16 =	vld [tilespmem:s6+$0xFFFFFFD0]  }
0x13b: {  	v18 =	vld [tilespmem:s6+$0xFFFFFF50];
	_ =	sdelay $0x1  }
0x13c: {  	s8 =	simm.s32 $0x181B0  }
0x13d: {  	v19 =	vld [tilespmem:s6+$0xFFFFFE50];
	[tilespmem:s8+$0xFFFFFED0] =	vst v17  }
0x13e: {  	[tilespmem:s8+$0xFFFFFFD0] =	vst v16;
	v17 =	vld [tilespmem:s6+$0xFFFFFEE0]  }
0x13f: {  	[tilespmem:s8+$0xFFFFFF50] =	vst v18;
	v16 =	vld [tilespmem:s6+$0xFFFFFFE0]  }
0x140: {  	v18 =	vld [tilespmem:s6+$0xFFFFFF60]  }
0x141: {  	s9 =	simm.s32 $0x11BB0  }
0x142: {  	v20 =	vld [tilespmem:s9+$0xFFFFFFD0];
	[tilespmem:s8+$0xFFFFFE50] =	vst v19  }
0x143: {  	v19 =	vld [tilespmem:s6+$0xFFFFFE60];
	[tilespmem:s8+$0xFFFFFEE0] =	vst v17  }
0x144: {  	[tilespmem:s8+$0xFFFFFFE0] =	vst v16;
	v17 =	vld [tilespmem:s6+$0xFFFFFEF0]  }
0x145: {  	[tilespmem:s8+$0xFFFFFF60] =	vst v18;
	v16 =	vld [tilespmem:s6+$0xFFFFFFF0]  }
0x146: {  	s24 =	simm.s32 $0x183B0;
	v18 =	vld [tilespmem:s6+$0xFFFFFF70]  }
0x147: {  	v21 =	vld [tilespmem:s9+$0xFFFFFED0];
	[tilespmem:s24+$0xFFFFFFD0] =	vst v20  }
0x148: {  	v20 =	vld [tilespmem:s9+$0xFFFFFFE0];
	[tilespmem:s8+$0xFFFFFE60] =	vst v19  }
0x149: {  	[tilespmem:s8+$0xFFFFFEF0] =	vst v17;
	v17 =	vld [tilespmem:s9+$0xFFFFFF50]  }
0x14a: {  	v19 =	vld [tilespmem:s9+$0xFFFFFE50];
	[tilespmem:s8+$0xFFFFFFF0] =	vst v16  }
0x14b: {  	[tilespmem:s8+$0xFFFFFF70] =	vst v18;
	v18 =	vld [tilespmem:s6+$0xFFFFFE70]  }
0x14c: {  	[tilespmem:s24+$0xFFFFFED0] =	vst v21;
	v16 =	vld [tilespmem:s6+$0x0]  }
0x14d: {  	v21 =	vld [tilespmem:s9+$0xFFFFFEE0];
	[tilespmem:s24+$0xFFFFFFE0] =	vst v20  }
0x14e: {  	[tilespmem:s24+$0xFFFFFF50] =	vst v17;
	v17 =	vld [tilespmem:s6+$0xFFFFFF00]  }
0x14f: {  	[tilespmem:s24+$0xFFFFFE50] =	vst v19;
	v22 =	vld [tilespmem:s9+$0xFFFFFF60]  }
0x150: {  	v23 =	vld [tilespmem:s9+$0xFFFFFE60];
	[tilespmem:s8+$0xFFFFFE70] =	vst v18  }
0x151: {  	[tilespmem:s8+$0x0] =	vst v16;
	v16 =	vld [tilespmem:s6+$0xFFFFFE80]  }
0x152: {  	[tilespmem:s24+$0xFFFFFEE0] =	vst v21;
	v18 =	vld [tilespmem:s9+$0xFFFFFFF0]  }
0x153: {  	v19 =	vld [tilespmem:s9+$0xFFFFFEF0];
	[tilespmem:s8+$0xFFFFFF00] =	vst v17  }
0x154: {  	v17 =	vld [tilespmem:s6+$0xFFFFFF80];
	[tilespmem:s24+$0xFFFFFF60] =	vst v22  }
0x155: {  	s25 =	simm.s32 $0x4;
	s26 =	simm.s32 $0x11DB0;
	[tilespmem:s24+$0xFFFFFE60] =	vst v23;
	v20 =	vld [tilespmem:s9+$0xFFFFFF70]  }
.LBB2_11:
0x156: {  	v21 =	vld [tilespmem:s26+$0xFFFFFFD0];
	s25 =	sadd.s32 $0x4, s25;
	[tilespmem:s8+$0xFFFFFE80] =	vst v16  }
0x157: {  	v16 =	vld [tilespmem:s26+$0xFFFFFED0];
	p0 =	slt.u32 s25, $0x64;
	[tilespmem:s24+$0xFFFFFFF0] =	vst v18  }
0x158: {  	[tilespmem:s24+$0xFFFFFEF0] =	vst v19;
	v18 =	vld [tilespmem:s9+$0x0]  }
0x159: {  	v19 =	vld [tilespmem:s26+$0xFFFFFF50];
	[tilespmem:s8+$0xFFFFFF80] =	vst v17;
	s8 =	smov.u32 s24  }
0x15a: {  	s24 =	sadd.s32 $0x200, s24;
	v17 =	vld [tilespmem:s26+$0xFFFFFE50];
	[tilespmem:s8+$0xFFFFFF70] =	vst v20  }
0x15b: {  	[tilespmem:s24+$0xFFFFFFD0] =	vst v21;
	v20 =	vld [tilespmem:s9+$0xFFFFFE70]  }
0x15c: {  	[tilespmem:s24+$0xFFFFFED0] =	vst v16;
	v16 =	vld [tilespmem:s26+$0xFFFFFFE0]  }
0x15d: {  	v21 =	vld [tilespmem:s26+$0xFFFFFEE0];
	[tilespmem:s8+$0x0] =	vst v18  }
0x15e: {  	[tilespmem:s24+$0xFFFFFF50] =	vst v19;
	v22 =	vld [tilespmem:s9+$0xFFFFFF00]  }
0x15f: {  	[tilespmem:s24+$0xFFFFFE50] =	vst v17;
	v17 =	vld [tilespmem:s26+$0xFFFFFF60]  }
0x160: {  	v23 =	vld [tilespmem:s26+$0xFFFFFE60];
	[tilespmem:s8+$0xFFFFFE70] =	vst v20  }
.Ltmp7:
0x161: {  	[tilespmem:s24+$0xFFFFFFE0] =	vst v16;
	v16 =	vld [tilespmem:s9+$0xFFFFFE80];
	(pc) =	sbr.rel @p0 .LBB2_11-.Ltmp7, $4  }
0x162: {  	[tilespmem:s24+$0xFFFFFEE0] =	vst v21;
	v18 =	vld [tilespmem:s26+$0xFFFFFFF0]  }
0x163: {  	v19 =	vld [tilespmem:s26+$0xFFFFFEF0];
	[tilespmem:s8+$0xFFFFFF00] =	vst v22  }
0x164: {  	[tilespmem:s24+$0xFFFFFF60] =	vst v17;
	v17 =	vld [tilespmem:s9+$0xFFFFFF80];
	s9 =	smov.u32 s26  }
0x165: {  	s26 =	sadd.s32 $0x200, s26;
	[tilespmem:s24+$0xFFFFFE60] =	vst v23;
	v20 =	vld [tilespmem:s9+$0xFFFFFF70]  }
0x166: {  	v21 =	vld [tilespmem:s9+$0xFFFFFE70]  }
0x167: {  	[tilespmem:s8+$0xFFFFFE80] =	vst v16  }
0x168: {  	[tilespmem:s24+$0xFFFFFFF0] =	vst v18  }
0x169: {  	[tilespmem:s24+$0xFFFFFEF0] =	vst v19;
	v18 =	vld [tilespmem:s9+$0x0]  }
0x16a: {  	v19 =	vld [tilespmem:s9+$0xFFFFFF00];
	[tilespmem:s24+$0xFFFFFF70] =	vst v20  }
0x16b: {  	[tilespmem:s24+$0xFFFFFE70] =	vst v21;
	v16 =	vld [tilespmem:s9+$0xFFFFFF80]  }
0x16c: {  	v63 =	vld [tilespmem:s9+$0xFFFFFE80]  }
0x16d: {  	s2 =	smul.u32 $0x6400, s2;
	p0 =	seq.s32 s23, $0x7F;
	[tilespmem:s8+$0xFFFFFF80] =	vst v17  }
.Ltmp8:
0x16e: {  	[tilespmem:s24+$0x0] =	vst v18;
	(pc) =	sbr.rel @p0 .LBB2_14-.Ltmp8, $4  }
0x16f: {  	s2 =	sshrl.u32 s2, $0x3;
	[tilespmem:s24+$0xFFFFFF00] =	vst v19  }
0x170: {  	s2 =	sadd.s32 s5, s2;
	[tilespmem:s24+$0xFFFFFF80] =	vst v16  }
0x171: {  	s2 =	sadd.s32 $0x600, s2;
	[tilespmem:s24+$0xFFFFFE80] =	vst v63  }
0x172: {  	[hbm4b:s2+s1] =	stream.linear.scatter [tilespmem:s20], [sflag:$0x4], $0x3400, $0x38;
	[tilespmem:$0x1B400] =	vst v63  }
.Ltmp9:
0x173: {  	(pc) =	sbr.rel .LBB2_4-.Ltmp9, $4  }
0x174: {  	_ = 	snop  }
0x175: {  	s0 =	sshrl.u32 s0, $0x2  }
0x176: {  	s23 =	sadd.s32 $0x1, s23;
	s0 =	sadd.s32 $0x6580, s0  }
0x177: {  	[tilespmem:s15], [sflag:$0x2] =	stream.indirect.gather [hbm4b:s3+s12], $0x80, s0, s12, $0xb8;
	[tilespmem:$0x1B400] =	vst v63  }
.LBB2_15:
0x178: {  	_ =	sfence.sel $0x180000  }
0x179: {  	[bflag:$0x0] =	sbarrier.arrive $0xFFFF  }
0x17a: {  	_ =	strace $0x90000047  }
0x17b: {  	s0 =	stileid.u32;
	[bflag:$0x2] =	sbarrier.arrive $0xFFFF  }
0x17c: {  	p0 =	sne.s32 s0, $0x0;
	s0 =	rddreg [dreg:$0x2]  }
0x17d: {  	s0 =	sadd.s32 @!p0 $0x100000, s0  }
0x17e: {  	[sflag:s0] =	ssyncadd.tile.s32 @!p0 $0x1;
	_ =	shalt  }
.Lfunc_end2:
_tile_overlayer_lowered:
.L_overlay_start_2:
0x17f: {  	(tag) =	ssettag $0x2  }
0x180: {  	s0 =	rddreg [dreg:$0x0];
	s2 =	stileid.u32  }
0x181: {  	s1 =	rddreg [dreg:$0x1];
	p0 =	sne.s32 s2, $0x0  }
0x182: {  	s3 =	rddreg [dreg:$0x2];
	[bflag:$0x3] =	sbarrier.arrive $0xFFFF;
	s2 =	simm.s32 @!p0 $0x1C05  }
0x183: {  	[timem:s3], [sflag:s2] =	dma.local @!p0 [hbm:s0], s1  }
0x184: {  	s0 =	simm.s32 @!p0 $0x5  }
0x185: {  	_ =	swait.ge @!p0 [sflag:s0], s1  }
0x186: {  	s1 =	ssub.s32 @!p0 $0x0, s1;
	[sflag:s0] =	ssyncset.done @!p0 $0x0  }
0x187: {  	[sflag:s0] =	ssyncadd.s32 @!p0 s1  }
0x188: {  	[bflag:$0x3] =	sbarrier.arrive $0xFFFF  }
0x189: {  	_ =	shalt  }

// kernel: sparse-core-data-format-call.cloned.1.call-start
scs
called_computation_lowered:
.L_overlay_start_0:
0x0: {  	s2 =	sld [smem:$0x3FD9]  }
0x1: {  	s3 =	sld [smem:$0x3FFE];
	_ =	sdelay $0x1  }
0x2: {  	s1 =	srdreg.scid  }
0x3: {  	s0 =	sand.u32 $0x1, s1  }
0x4: {  	s18 =	sshll.u32 s0, $0xA;
	s2 =	sadd.s32 s3, s2  }
0x5: {  	s2 =	sadd.s32 s2, s18  }
0x6: {  	[smem:$0x3FC6] =	sst s2  }
0x7: {  	_ = 	snop  }
0x8: {  	s2 =	sld [smem:$0x3FD0];
	(tm) =	ssettm $0x1  }
0x9: {  	s19 =	sld [smem:$0x3FFB];
	_ =	sdelay $0x3  }
0xa: {  	_ =	strace s19  }
0xb: {  	s3 =	sld [smem:$0x3FFC];
	_ =	sdelay $0x3  }
0xc: {  	_ =	strace s3  }
0xd: {  	s3 =	sld [smem:$0x3FFD];
	_ =	sdelay $0x3  }
0xe: {  	_ =	strace s3  }
0xf: {  	_ =	strace $0x8FFFFFFF  }
0x10: {  	s20 =	sld [smem:$0x3FDB];
	_ =	sdelay $0x1  }
0x11: {  	s4 =	simm.s32 $_scs_section_size  }
0x12: {  	s5 =	simm.s32 $_size__tile_overlayer_lowered;
	s6 =	simm.s32 $_tile_overlayer_lowered  }
0x13: {  	s23 =	simm.s32 $0x1BFF;
	s22 =	sshll.u32 s6, $0x1;
	s3 =	sadd.s32 s4, s20  }
0x14: {  	s7 =	simm.s32 $0x0;
	s21 =	sshll.u32 s5, $0x1;
	s5 =	sadd.s32 s22, s3  }
0x15: {  	[timem:s7], [sflag:s23] =	dma.local [hbm:s5], s21  }
0x16: {  	_ =	swait.ge [sflag:s23], s21  }
0x17: {  	s4 =	ssub.s32 $0x0, s21;
	[sflag:s23] =	ssyncset.done $0x0  }
0x18: {  	[sflag:s23] =	ssyncadd.s32 s4;
	_ =	sdelay $0x1  }
0x19: {  	s24 =	simm.s32 $0x1B8B  }
0x1a: {  	_ =	swait.ge [sflag:s24], $0x1  }
0x1b: {  	[sflag:s24] =	ssyncset.done $0x0  }
0x1c: {  	s26 =	simm.s32 $0x1B8E;
	s25 =	sld [smem:$0x3FFE];
	[sflag:s24] =	ssyncadd.s32 $0xFFFFFFFF  }
0x1d: {  	s27 =	simm.s32 $execute0_lowered;
	[smem:$0x3FD2] =	sst s26  }
0x1e: {  	s5 =	sshll.u32 s27, $0x1;
	_ =	strace $0x80000049;
	[dreg:$0x1] =	wrdreg $0xFFFFFFFF  }
0x1f: {  	s28 =	simm.s32 $_size_execute0_lowered;
	s3 =	sadd.s32 s3, s5;
	[dreg:$0x0] =	wrdreg $0x0  }
0x20: {  	s5 =	sshll.u32 s28, $0x1;
	[dreg:$0x2] =	wrdreg s3  }
0x21: {  	[dreg:$0x3] =	wrdreg s5  }
0x22: {  	[dreg:$0x4] =	wrdreg $0xC0  }
0x23: {  	_ =	task [dreg:s7], $0x5FFFF  }
0x24: {  	[dreg:$0x1] =	wrdreg $0xFFFFFFFF  }
0x25: {  	[dreg:$0x0] =	wrdreg $0x60  }
0x26: {  	[dreg:$0x2] =	wrdreg s25  }
0x27: {  	[dreg:$0x3] =	wrdreg s2  }
0x28: {  	[dreg:$0x4] =	wrdreg $0x9  }
0x29: {  	_ =	task.clear_ibuf [dreg:s7], $0x5FFFF;
	_ =	strace $0x90000049  }
0x2a: {  	s29 =	simm.s32 $0x9;
	_ =	strace $0x8000004B  }
0x2b: {  	_ =	swait.ge [sflag:s29], $0x1  }
0x2c: {  	[sflag:s29] =	ssyncadd.s32 $0xFFFFFFFF  }
0x2d: {  	_ =	strace $0x9000004B  }
0x2e: {  	_ =	sfence  }
0x2f: {  	s30 =	sld [smem:$0x0];
	_ =	sdelay $0x2  }
0x30: {  	s31 =	sshll.u32 s1, $0xD;
	s1 =	sshrl.u32 s1, $0x2  }
0x31: {  	s3 =	sand.u32 $0x4000, s31;
	s1 =	sadd.s32 s1, s30  }
0x32: {  	s0 =	sor.u32 s3, s0;
	s1 =	sshll.u32 s1, $0x11  }
0x33: {  	s0 =	sor.u32 s1, s0  }
0x34: {  	s0 =	sadd.s32 $0x8F2B, s0  }
0x35: {  	[sflag:s0] =	ssyncadd.remote.s32 $0x1  }
0x36: {  	_ =	sfence.sel $0xFFFF  }
0x37: {  	[dreg:$0x0] =	wrdreg $0xFFFFFFFF;
	(pc) =	sbr.abs _section_cstart, $3  }
0x38: {  	[dreg:$0x1] =	wrdreg $0xFFFFFFFF  }
0x39: {  	_ =	task.clear_ibuf [dreg:s7], $0x2FFFF;
	_ =	strace $0x9FFFFFFF  }
0x3a: {  	(tm) =	ssettm $0x7FFFFFFF  }
0x3b: {  	_ =	shalt  }
tec
execute0_lowered:
.L_overlay_start_1:
0x0: {  	(tag) =	ssettag $0x1  }
0x1: {  	s0 =	srdreg.scid  }
0x2: {  	s1 =	sshll.u32 s0, $0x4  }
0x3: {  	s0 =	stileid.u32;
	s1 =	sand.u32 $0x10, s1  }
0x4: {  	s1 =	sor.u32 s0, s1  }
0x5: {  	s6 =	rddreg [dreg:$0x0];
	s4 =	simm.s32 $0x1;
	s2 =	sshll.u32 s1, $0x7  }
0x6: {  	s7 =	simm.s32 $0x2;
	s12 =	simm.s32 $0x0;
	s1 =	ssub.s32 $0x1000, s2  }
0x7: {  	s8 =	simm.s32 $0x8000;
	s13 =	simm.s32 $0x0;
	s3 =	sand.u32 $0xF80, s1  }
0x8: {  	s9 =	simm.s32 $0x0;
	s5 =	sshrl.u32 s1, $0xC;
	p0 =	sne.s32 s3, $0x0  }
.Ltmp0:
0x9: {  	s1 =	rddreg [dreg:$0x2];
	s4 =	simm.s32 @!p0 $0x0;
	(pc) =	sbr.rel .LBB1_1-.Ltmp0, $4  }
0xa: {  	s11 =	simm.s32 $0x0;
	s3 =	rddreg [dreg:$0x1];
	s5 =	sadd.s32 s4, s5  }
0xb: {  	_ =	strace $0x8000004A;
	s4 =	simm.s32 $0x1;
	s5 =	smul.u32 $0xC8, s5  }
0xc: {  	s6 =	sadd.s32 $0x187200, s6;
	s10 =	smov.u32 s2;
	[sflag:s4] =	ssyncpa.u1 $0x0  }
0xd: {  	p0 =	por $0x0, $0x0;
	[sflag:s7] =	ssyncpa.u1 $0x0;
	s7 =	sor.u32 $0x1, s5  }
.LBB1_4:
0xe: {  	s16 =	sshll.u32 s13, $0x3;
	s17 =	sand.u32 $0x78, s13  }
0xf: {  	s30 =	sand.u32 $0x7E00, s13;
	s12 =	sshll.u32 s12, $0xF;
	s16 =	sand.u32 $0xC00, s16  }
0x10: {  	[tilespmem:s15+$0x810 ss:$0x81] =	vst.msk $0xffff, v2;
	s31 =	sand.u32 $0x7, s13;
	s16 =	sor.u32 s17, s16;
	s17 =	sadd.s32 s3, s30  }
0x11: {  	[tilespmem:s15+$0x1020 ss:$0x81] =	vst.msk $0xffff, v0;
	s13 =	sshll.u32 s31, $0x12;
	s12 =	sadd.s32 s12, s17;
	s16 =	sshrl.u32 s16, $0x3  }
0x12: {  	[tilespmem:s15+$0x0 ss:$0x81] =	vst.msk $0xffff, v1;
	s13 =	sor.u32 $0x400, s13;
	s12 =	sadd.s32 s16, s12  }
0x13: {  	[hbm4b:s12+s13] =	stream.strided.scatter [tilespmem:s14], [sflag:$0x2], $0x2000, s8, s13, $0x20;
	[tilespmem:$0x8080] =	vst v63  }
.LBB1_5:
0x14: {  	s14 =	sadd.s32 $0x1, s9  }
0x15: {  	s12 =	sadd.s32 $0x1000, s10;
	s16 =	smov.u32 s10;
	p2 =	sgt.s32 s14, $0xC7  }
0x16: {  	s16 =	smov.u32 @p2 s12  }
0x17: {  	s14 =	simm.s32 @p2 $0x0;
	p2 =	sgt.s32 s16, $0xFFF  }
0x18: {  	s16 =	smov.u32 @p2 s2;
	p2 =	sne.s32 s11, s7  }
.Ltmp1:
0x19: {  	p1 =	slt.u32 s11, $0x2;
	(pc) =	sbr.rel @!p2 .LBB1_6-.Ltmp1, $4  }
0x1a: {  	s15 =	simm.s32 @!p1 $0x2  }
0x1b: {  	s13 =	smov.u32 s10;
	p0 =	por !p0, !p0;
	_ =	swait.ge @!p1 [sflag:s15], $0x2000  }
0x1c: {  	s12 =	smov.u32 s9;
	[sflag:s15] =	ssyncset.done @!p1 $0x0;
	s9 =	smov.u32 s14  }
0x1d: {  	s11 =	sadd.s32 $0x1, s11;
	[sflag:s15] =	ssyncadd.s32 @!p1 $0xFFFFE000;
	s10 =	smov.u32 s16  }
.LBB1_1:
0x1e: {  	p1 =	sge.u32 s11, s5  }
0x1f: {  	s14 =	sand.u32 @!p1 $0x1FFFFFF, s9  }
0x20: {  	s15 =	smulhi.u32 @!p1 $0x147AE15, s14;
	_ =	sdelay $0x1  }
0x21: {  	s15 =	smul.u32 @!p1 $0xC8, s15  }
0x22: {  	s16 =	sxor.u32 @!p1 $0xFFFFFFFF, s11;
	s17 =	smul.u32 @!p1 $0xC80, s10  }
0x23: {  	s31 =	sadd.s32 $0xFFFFFFFF, s11;
	s16 =	sshll.u32 @!p1 s16, $0xD;
	s14 =	ssub.s32 @!p1 s14, s15  }
0x24: {  	s15 =	sand.u32 @!p1 $0x2000, s16;
	s16 =	sadd.s32 @!p1 s6, s17;
	s14 =	sshll.u32 @!p1 s14, $0x4  }
0x25: {  	s17 =	simm.s32 @!p1 $0x6400;
	s14 =	sadd.s32 @!p1 s14, s16;
	s16 =	simm.s32 @!p1 $0x40  }
0x26: {  	[tilespmem:s15], [sflag:$0x1] =	stream.strided.gather @!p1 [hbm4b:s14+s16], $0x2000, s17, s16, $0x38;
	[tilespmem:$0x8080] =	vst v63  }
0x27: {  	p1 =	sge.u32 s31, s5  }
.Ltmp2:
0x28: {  	_ = 	snop;
	(pc) =	sbr.rel @p1 .LBB1_5-.Ltmp2, $1  }
0x29: {  	_ =	sdelay $0x3  }
0x2a: {  	s14 =	simm.s32 $0x1  }
0x2b: {  	_ =	swait.ge [sflag:s4], $0x2000;
	s14 =	simm.s32 @!p0 $0x0  }
0x2c: {  	[sflag:s4] =	ssyncset.done $0x0;
	s15 =	sshll.u32 s14, $0xD  }
0x2d: {  	[sflag:s4] =	ssyncadd.s32 $0xFFFFE000;
	s18 =	sor.u32 $0x20, s15  }
0x2e: {  	s14 =	smul.u32 $0x8100, s14;
	v3 =	vld [tilespmem:s18+$0x10]  }
0x2f: {  	s30 =	sand.u32 $0x1, s11;
	v2 =	vld [tilespmem:s18+$0xFFFFFFF0]  }
0x30: {  	s15 =	smul.u32 $0x8100, s30;
	s14 =	sshrl.u32 s14, $0x2;
	v0 =	vld [tilespmem:s18+$0x0]  }
0x31: {  	v1 =	vld [tilespmem:s18+$0xFFFFFFE0];
	s16 =	sor.u32 $0x4000, s14  }
0x32: {  	s31 =	sshrl.u32 s15, $0x2;
	s15 =	sadd.s32 $0x0, s16  }
0x33: {  	s17 =	simm.s32 $0x4;
	s18 =	sadd.s32 $0x40, s18;
	s14 =	sor.u32 $0x4000, s31;
	[tilespmem:s15+$0x1830 ss:$0x81] =	vst.msk $0xffff, v3  }
.LBB1_3:
0x34: {  	v3 =	vld [tilespmem:s18+$0x10];
	p1 =	sne.s32 s17, $0x1FC;
	[tilespmem:s15+$0x810 ss:$0x81] =	vst.msk $0xffff, v2;
	s19 =	smov.u32 s17;
	s17 =	sadd.s32 $0x4, s17  }
.Ltmp3:
0x35: {  	v2 =	vld [tilespmem:s18+$0xFFFFFFF0];
	[tilespmem:s15+$0x1020 ss:$0x81] =	vst.msk $0xffff, v0;
	(pc) =	sbr.rel @p1 .LBB1_3-.Ltmp3, $4  }
0x36: {  	v0 =	vld [tilespmem:s18+$0x0];
	[tilespmem:s15+$0x0 ss:$0x81] =	vst.msk $0xffff, v1  }
0x37: {  	s15 =	sshra.s32 s19, $0x2;
	v1 =	vld [tilespmem:s18+$0xFFFFFFE0]  }
0x38: {  	s15 =	sadd.s32 s15, s16  }
0x39: {  	s18 =	sadd.s32 $0x40, s18;
	[tilespmem:s15+$0x1830 ss:$0x81] =	vst.msk $0xffff, v3  }
.Ltmp4:
0x3a: {  	_ = 	snop;
	(pc) =	sbr.rel .LBB1_4-.Ltmp4, $1  }
0x3b: {  	_ =	sdelay $0x3  }
.LBB1_6:
0x3c: {  	_ =	sfence.sel $0x180000  }
0x3d: {  	s2 =	simm.s32 $0x1;
	[bflag:$0x0] =	sbarrier.arrive $0xFFFF  }
0x3e: {  	s31 =	simm.s32 $0x2;
	[sflag:s2] =	ssyncpa.u1 $0x1  }
0x3f: {  	[sflag:s31] =	ssyncpa.u1 $0x1  }
0x40: {  	p0 =	sne.s32 s0, $0x0;
	_ =	strace $0x9000004A  }
0x41: {  	s0 =	sadd.s32 @!p0 $0x100000, s1;
	[bflag:$0x2] =	sbarrier.arrive $0xFFFF  }
0x42: {  	[sflag:s0] =	ssyncadd.tile.s32 @!p0 $0x1;
	_ =	shalt  }
.Lfunc_end1:
_tile_overlayer_lowered:
.L_overlay_start_2:
0x43: {  	(tag) =	ssettag $0x2  }
0x44: {  	s0 =	rddreg [dreg:$0x0];
	s2 =	stileid.u32  }
0x45: {  	s1 =	rddreg [dreg:$0x1];
	p0 =	sne.s32 s2, $0x0  }
0x46: {  	s3 =	rddreg [dreg:$0x2];
	[bflag:$0x3] =	sbarrier.arrive $0xFFFF;
	s2 =	simm.s32 @!p0 $0x1C01  }
0x47: {  	[timem:s3], [sflag:s2] =	dma.local @!p0 [hbm:s0], s1  }
0x48: {  	s0 =	simm.s32 @!p0 $0x1  }
0x49: {  	_ =	swait.ge @!p0 [sflag:s0], s1  }
0x4a: {  	s1 =	ssub.s32 @!p0 $0x0, s1;
	[sflag:s0] =	ssyncset.done @!p0 $0x0  }
0x4b: {  	[sflag:s0] =	ssyncadd.s32 @!p0 s1  }
0x4c: {  	[bflag:$0x3] =	sbarrier.arrive $0xFFFF  }
0x4d: {  	_ =	shalt  }

</sc_bundles>
